<compile_context>
chip_gen: v7x
topology: tpu7x:2x2x1
jax: 0.10.2.dev20260603
libtpu: 0.0.44.dev20260713+nightly
codegen_flags: <defaults>
</compile_context>

<pallas_src>
import math

import jax
import jax.numpy as jnp
import numpy as np
from jax import lax
from jax.experimental import pallas as pl
from jax.experimental.pallas import tpu as pltpu
from jax.experimental.pallas import tpu_sc as plsc

D_MODEL = 128
SEQ = 200
BATCH = 4096
SCALE = math.sqrt(128.0)
LANES = 16
NW = 32
NBPW = BATCH // NW
NST = NBPW * 2
NBUF = 8
DIST = NBUF // 2
CH = (104, 96)


def _positional_encoding(length, depth):
    half = depth / 2
    positions = np.arange(length)[:, np.newaxis]
    depths = np.arange(half)[np.newaxis, :] / half
    angle_rates = 1 / 1000 ** depths
    angle_rads = positions * angle_rates
    return np.concatenate(
        [np.sin(angle_rads), np.cos(angle_rads)], axis=-1
    ).astype(np.float32)


_PE = _positional_encoding(SEQ, D_MODEL)


def _sc_body(x_ref, table_ref, pe_hbm, out_ref, pe_v, idx0, idx1, *scratch):
    rows = scratch[0:NBUF]
    g = scratch[NBUF:2 * NBUF]
    st = scratch[2 * NBUF:3 * NBUF]
    idx = (idx0, idx1)

    c = lax.axis_index("c")
    s = lax.axis_index("s")
    wid = s * 2 + c
    batch0 = wid * NBPW
    pltpu.sync_copy(pe_hbm, pe_v)

    def load_idx_block(q, blk):
        pltpu.sync_copy(x_ref.at[pl.ds((batch0 + 2 * q) * SEQ, 2 * SEQ)],
                        idx[blk])

    _POFF = (0, CH[0], SEQ, SEQ + CH[0])

    def start_gather(p, blk, j):
        pltpu.async_copy(
            table_ref.at[idx[blk].at[pl.ds(_POFF[p], CH[j % 2])]],
            rows[j], g[j])

    def wait_gather(j):
        pltpu.make_async_copy(
            table_ref.at[idx0.at[pl.ds(0, CH[j % 2])]], rows[j], g[j]).wait()

    def _out_slice(k, j):
        row0 = (batch0 + 4 * k + j // 2) * SEQ + (j % 2) * CH[0]
        return out_ref.at[pl.ds(row0, CH[j % 2])]

    def start_store(k, j):
        pltpu.async_copy(rows[j], _out_slice(k, j), st[j])

    def wait_store(k, j):
        pltpu.make_async_copy(rows[j], _out_slice(k, j), st[j]).wait()

    def compute_pair(ja, jb):
        ra, rb = rows[ja], rows[jb]
        pbase = (ja % 2) * CH[0]

        def row_body(r, carry):
            for v in range(D_MODEL // LANES):
                sl = pl.ds(v * LANES, LANES)
                pv = pe_v[pbase + r, sl]
                ra[r, sl] = ra[r, sl] * SCALE + pv
                rb[r, sl] = rb[r, sl] * SCALE + pv
            return carry

        lax.fori_loop(0, CH[ja % 2], row_body, 0)

    load_idx_block(0, 0)
    for j in range(DIST):
        start_gather(j, 0, j)

    K = NST // NBUF

    def iter_body(k, carry):
        for j in range(NBUF):
            if j == 0:
                load_idx_block(2 * k + 1, 1)
            if j == DIST:
                @pl.when(k < K - 1)
                def _ld():
                    load_idx_block(2 * k + 2, 0)

            if j in (2, 3):
                wait_gather(j - 2)
                wait_gather(j)
                compute_pair(j - 2, j)
                start_store(k, j - 2)
                start_store(k, j)
            elif j in (6, 7):
                wait_gather(j - 2)
                wait_gather(j)
                compute_pair(j - 2, j)
                start_store(k, j - 2)
                start_store(k, j)

            jn = (j + DIST) % NBUF
            if j < DIST:
                @pl.when(k > 0)
                def _w():
                    wait_store(k - 1, jn)

                start_gather(j, 1, jn)
            else:
                @pl.when(k < K - 1)
                def _w2():
                    wait_store(k, jn)
                    start_gather(j - DIST, 0, jn)
        return carry

    lax.fori_loop(0, K, iter_body, 0)

    for j in range(NBUF):
        wait_store(K - 1, j)


@jax.jit
def _impl(x, table):
    xf = x.reshape(-1)
    mesh = plsc.VectorSubcoreMesh(core_axis_name="c", subcore_axis_name="s")
    scratch = (
        [pltpu.VMEM((SEQ, D_MODEL), jnp.float32)]
        + [pltpu.VMEM((2 * SEQ,), jnp.int32)] * 2
        + [pltpu.VMEM((CH[j % 2], D_MODEL), jnp.float32)
           for j in range(NBUF)]
        + [pltpu.SemaphoreType.DMA] * NBUF
        + [pltpu.SemaphoreType.DMA] * NBUF
    )
    out = pl.kernel(
        _sc_body,
        out_type=jax.ShapeDtypeStruct((BATCH * SEQ, D_MODEL), jnp.float32),
        mesh=mesh,
        scratch_types=scratch,
    )(xf, table, jnp.asarray(_PE))
    return out.reshape(BATCH, SEQ, D_MODEL)


def kernel(x, table):
    return _impl(x, table)

# --- scband reference (transcript-rebuilt; emitter-appended) ---
"""Pipeline reference for scband-positional-embedding-82403242541248 (READ-ONLY COPY).

The authoritative reference and input builder live on the scoring server;
editing this copy changes nothing except your own understanding.
"""

import jax, jax.numpy as jnp
import numpy as np

VOCAB = 1000000
D_MODEL = 128
BATCH = 4096
SEQ = 200
PE_LEN = 2048


def positional_encoding(length, depth):
    depth = depth / 2
    positions = np.arange(length)[:, np.newaxis]
    depths = np.arange(depth)[np.newaxis, :] / depth
    angle_rates = 1 / 1000 ** depths
    angle_rads = positions * angle_rates
    pos = np.concatenate([np.sin(angle_rads), np.cos(angle_rads)], axis=-1)
    return jnp.asarray(pos, dtype=jnp.float32)


def setup_inputs(seed: int = 0) -> dict:
    key = jax.random.key(seed)
    k1, k2 = jax.random.split(key)
    x = jax.random.randint(k1, (BATCH, SEQ), 0, VOCAB, dtype=jnp.int32)
    table = jax.random.normal(k2, (VOCAB, D_MODEL), dtype=jnp.float32) * 0.02
    return {"x": x, "table": table}


def reference(x, table):
    length = x.shape[1]
    pe = positional_encoding(PE_LEN, D_MODEL)
    emb = jnp.take(table, x, axis=0)
    emb = emb * jnp.sqrt(jnp.asarray(D_MODEL, dtype=jnp.float32))
    out = emb + pe[jnp.newaxis, :length, :]
    return out

if __name__ == "__main__":
    import jax
    _d = setup_inputs()
    print(jax.jit(kernel)(*tuple(_d.values())))

</pallas_src>

<mosaic_0001>
#map = affine_map<(d0, d1) -> (0)>
#map1 = affine_map<(d0, d1) -> (0, 0)>
module attributes {stable_mosaic.version = 14 : i64} {
  func.func @_sc_body(%arg0: i32, %arg1: i32, %arg2: memref<819200xi32, #tpu.memory_space<hbm>>, %arg3: memref<1000000x128xf32, #tpu.memory_space<hbm>>, %arg4: memref<200x128xf32, #tpu.memory_space<hbm>>, %arg5: memref<819200x128xf32, #tpu.memory_space<hbm>>, %arg6: memref<200x128xf32, #tpu.memory_space<vmem>>, %arg7: memref<400xi32, #tpu.memory_space<vmem>>, %arg8: memref<400xi32, #tpu.memory_space<vmem>>, %arg9: memref<104x128xf32, #tpu.memory_space<vmem>>, %arg10: memref<96x128xf32, #tpu.memory_space<vmem>>, %arg11: memref<104x128xf32, #tpu.memory_space<vmem>>, %arg12: memref<96x128xf32, #tpu.memory_space<vmem>>, %arg13: memref<104x128xf32, #tpu.memory_space<vmem>>, %arg14: memref<96x128xf32, #tpu.memory_space<vmem>>, %arg15: memref<104x128xf32, #tpu.memory_space<vmem>>, %arg16: memref<96x128xf32, #tpu.memory_space<vmem>>, %arg17: memref<!tpu.dma_semaphore, #tpu.memory_space<semaphore_mem>>, %arg18: memref<!tpu.dma_semaphore, #tpu.memory_space<semaphore_mem>>, %arg19: memref<!tpu.dma_semaphore, #tpu.memory_space<semaphore_mem>>, %arg20: memref<!tpu.dma_semaphore, #tpu.memory_space<semaphore_mem>>, %arg21: memref<!tpu.dma_semaphore, #tpu.memory_space<semaphore_mem>>, %arg22: memref<!tpu.dma_semaphore, #tpu.memory_space<semaphore_mem>>, %arg23: memref<!tpu.dma_semaphore, #tpu.memory_space<semaphore_mem>>, %arg24: memref<!tpu.dma_semaphore, #tpu.memory_space<semaphore_mem>>, %arg25: memref<!tpu.dma_semaphore, #tpu.memory_space<semaphore_mem>>, %arg26: memref<!tpu.dma_semaphore, #tpu.memory_space<semaphore_mem>>, %arg27: memref<!tpu.dma_semaphore, #tpu.memory_space<semaphore_mem>>, %arg28: memref<!tpu.dma_semaphore, #tpu.memory_space<semaphore_mem>>, %arg29: memref<!tpu.dma_semaphore, #tpu.memory_space<semaphore_mem>>, %arg30: memref<!tpu.dma_semaphore, #tpu.memory_space<semaphore_mem>>, %arg31: memref<!tpu.dma_semaphore, #tpu.memory_space<semaphore_mem>>, %arg32: memref<!tpu.dma_semaphore, #tpu.memory_space<semaphore_mem>>) attributes {dimension_semantics = [#tpu.dimension_semantics<core_parallel>, #tpu.dimension_semantics<subcore_parallel>], iteration_bounds = array<i64: 2, 16>, scalar_prefetch = 0 : i64, scratch_operands = 27 : i64, tpu.core_type = #tpu.core_type<sc_vector_subcore>, window_params = [{transform_indices = #map}, {transform_indices = #map1}, {transform_indices = #map1}, {transform_indices = #map1}]} {
    %mul3A = arith.constant 2 : i32
    %mul3A_0 = arith.muli %arg1, %mul3A : i32
    %add3A = arith.addi %mul3A_0, %arg0 : i32
    %mul3A_1 = arith.constant 128 : i32
    %mul3A_2 = arith.muli %add3A, %mul3A_1 : i32
    "tpu.region"() ({
      %run_scoped3A = tpu.sem_alloc : memref<!tpu.dma_semaphore, #tpu.memory_space<semaphore_mem>>
      tpu.enqueue_dma source(%arg4 : memref<200x128xf32, #tpu.memory_space<hbm>>) target(%arg6 : memref<200x128xf32, #tpu.memory_space<vmem>>) target_semaphore(%run_scoped3A : memref<!tpu.dma_semaphore, #tpu.memory_space<semaphore_mem>>)
      tpu.wait_dma2 semaphore(%run_scoped3A : memref<!tpu.dma_semaphore, #tpu.memory_space<semaphore_mem>>) src(%arg4 : memref<200x128xf32, #tpu.memory_space<hbm>>) dst(%arg6 : memref<200x128xf32, #tpu.memory_space<vmem>>)
      tpu.yield
    }) : () -> ()
    %add3A_3 = arith.constant 0 : i32
    %add3A_4 = arith.addi %mul3A_2, %add3A_3 : i32
    %mul3A_5 = arith.constant 200 : i32
    %mul3A_6 = arith.muli %add3A_4, %mul3A_5 : i32
    "tpu.region"() ({
      %run_scoped3A = tpu.sem_alloc : memref<!tpu.dma_semaphore, #tpu.memory_space<semaphore_mem>>
      %dma_start3A_126 = tpu.memref_slice %arg2[%mul3A_6] : memref<819200xi32, #tpu.memory_space<hbm>> -> memref<400xi32, #tpu.memory_space<hbm>>
      %dma_start3A_127 = tpu.memref_slice %arg2[%mul3A_6] : memref<819200xi32, #tpu.memory_space<hbm>> -> memref<400xi32, #tpu.memory_space<hbm>>
      tpu.enqueue_dma source(%dma_start3A_127 : memref<400xi32, #tpu.memory_space<hbm>>) target(%arg7 : memref<400xi32, #tpu.memory_space<vmem>>) target_semaphore(%run_scoped3A : memref<!tpu.dma_semaphore, #tpu.memory_space<semaphore_mem>>)
      %dma_wait3A_128 = tpu.memref_slice %arg2[%mul3A_6] : memref<819200xi32, #tpu.memory_space<hbm>> -> memref<400xi32, #tpu.memory_space<hbm>>
      %dma_wait3A_129 = tpu.memref_slice %arg2[%mul3A_6] : memref<819200xi32, #tpu.memory_space<hbm>> -> memref<400xi32, #tpu.memory_space<hbm>>
      tpu.wait_dma2 semaphore(%run_scoped3A : memref<!tpu.dma_semaphore, #tpu.memory_space<semaphore_mem>>) src(%dma_wait3A_129 : memref<400xi32, #tpu.memory_space<hbm>>) dst(%arg7 : memref<400xi32, #tpu.memory_space<vmem>>)
      tpu.yield
    }) : () -> ()
    %dma_start3A = arith.constant 0 : i32
    %dma_start3A_7 = tpu.memref_slice %arg7[%dma_start3A] : memref<400xi32, #tpu.memory_space<vmem>> -> memref<104xi32, #tpu.memory_space<vmem>>
    %dma_start3A_8 = arith.constant 0 : i32
    %dma_start3A_9 = arith.constant 0 : i32
    %dma_start3A_10 = tpu.memref_slice %arg3[%dma_start3A_8, %dma_start3A_9] : memref<1000000x128xf32, #tpu.memory_space<hbm>> -> memref<1000000x128xf32, #tpu.memory_space<hbm>>
    tpu.enqueue_indirect_dma source(%dma_start3A_10 : memref<1000000x128xf32, #tpu.memory_space<hbm>>) target(%arg9 : memref<104x128xf32, #tpu.memory_space<vmem>>) offsets(%dma_start3A_7 : memref<104xi32, #tpu.memory_space<vmem>>) semaphore(%arg17 : memref<!tpu.dma_semaphore, #tpu.memory_space<semaphore_mem>>)
    %dma_start3A_11 = arith.constant 104 : i32
    %dma_start3A_12 = tpu.memref_slice %arg7[%dma_start3A_11] : memref<400xi32, #tpu.memory_space<vmem>> -> memref<96xi32, #tpu.memory_space<vmem>>
    %dma_start3A_13 = arith.constant 0 : i32
    %dma_start3A_14 = arith.constant 0 : i32
    %dma_start3A_15 = tpu.memref_slice %arg3[%dma_start3A_13, %dma_start3A_14] : memref<1000000x128xf32, #tpu.memory_space<hbm>> -> memref<1000000x128xf32, #tpu.memory_space<hbm>>
    tpu.enqueue_indirect_dma source(%dma_start3A_15 : memref<1000000x128xf32, #tpu.memory_space<hbm>>) target(%arg10 : memref<96x128xf32, #tpu.memory_space<vmem>>) offsets(%dma_start3A_12 : memref<96xi32, #tpu.memory_space<vmem>>) semaphore(%arg18 : memref<!tpu.dma_semaphore, #tpu.memory_space<semaphore_mem>>)
    %dma_start3A_16 = arith.constant 200 : i32
    %dma_start3A_17 = tpu.memref_slice %arg7[%dma_start3A_16] : memref<400xi32, #tpu.memory_space<vmem>> -> memref<104xi32, #tpu.memory_space<vmem>>
    %dma_start3A_18 = arith.constant 0 : i32
    %dma_start3A_19 = arith.constant 0 : i32
    %dma_start3A_20 = tpu.memref_slice %arg3[%dma_start3A_18, %dma_start3A_19] : memref<1000000x128xf32, #tpu.memory_space<hbm>> -> memref<1000000x128xf32, #tpu.memory_space<hbm>>
    tpu.enqueue_indirect_dma source(%dma_start3A_20 : memref<1000000x128xf32, #tpu.memory_space<hbm>>) target(%arg11 : memref<104x128xf32, #tpu.memory_space<vmem>>) offsets(%dma_start3A_17 : memref<104xi32, #tpu.memory_space<vmem>>) semaphore(%arg19 : memref<!tpu.dma_semaphore, #tpu.memory_space<semaphore_mem>>)
    %dma_start3A_21 = arith.constant 304 : i32
    %dma_start3A_22 = tpu.memref_slice %arg7[%dma_start3A_21] : memref<400xi32, #tpu.memory_space<vmem>> -> memref<96xi32, #tpu.memory_space<vmem>>
    %dma_start3A_23 = arith.constant 0 : i32
    %dma_start3A_24 = arith.constant 0 : i32
    %dma_start3A_25 = tpu.memref_slice %arg3[%dma_start3A_23, %dma_start3A_24] : memref<1000000x128xf32, #tpu.memory_space<hbm>> -> memref<1000000x128xf32, #tpu.memory_space<hbm>>
    tpu.enqueue_indirect_dma source(%dma_start3A_25 : memref<1000000x128xf32, #tpu.memory_space<hbm>>) target(%arg12 : memref<96x128xf32, #tpu.memory_space<vmem>>) offsets(%dma_start3A_22 : memref<96xi32, #tpu.memory_space<vmem>>) semaphore(%arg20 : memref<!tpu.dma_semaphore, #tpu.memory_space<semaphore_mem>>)
    %scan3A = arith.constant 0 : i32
    %scan3A_26 = arith.constant 0 : i32
    %scan3A_27 = arith.constant 32 : i32
    %scan3A_28 = arith.addi %scan3A_26, %scan3A_27 : i32
    %scan3A_29 = arith.constant 1 : i32
    scf.for %scan3A_126 = %scan3A_26 to %scan3A_28 step %scan3A_29  : i32 {
      %mul3A_127 = arith.constant 2 : i32
      %mul3A_128 = arith.muli %mul3A_127, %scan3A_126 : i32
      %add3A_129 = arith.constant 1 : i32
      %add3A_130 = arith.addi %mul3A_128, %add3A_129 : i32
      %mul3A_131 = arith.constant 2 : i32
      %mul3A_132 = arith.muli %mul3A_131, %add3A_130 : i32
      %add3A_133 = arith.addi %mul3A_2, %mul3A_132 : i32
      %mul3A_134 = arith.constant 200 : i32
      %mul3A_135 = arith.muli %add3A_133, %mul3A_134 : i32
      "tpu.region"() ({
        %run_scoped3A = tpu.sem_alloc : memref<!tpu.dma_semaphore, #tpu.memory_space<semaphore_mem>>
        %dma_start3A_365 = tpu.memref_slice %arg2[%mul3A_135] : memref<819200xi32, #tpu.memory_space<hbm>> -> memref<400xi32, #tpu.memory_space<hbm>>
        %dma_start3A_366 = tpu.memref_slice %arg2[%mul3A_135] : memref<819200xi32, #tpu.memory_space<hbm>> -> memref<400xi32, #tpu.memory_space<hbm>>
        tpu.enqueue_dma source(%dma_start3A_366 : memref<400xi32, #tpu.memory_space<hbm>>) target(%arg8 : memref<400xi32, #tpu.memory_space<vmem>>) target_semaphore(%run_scoped3A : memref<!tpu.dma_semaphore, #tpu.memory_space<semaphore_mem>>)
        %dma_wait3A_367 = tpu.memref_slice %arg2[%mul3A_135] : memref<819200xi32, #tpu.memory_space<hbm>> -> memref<400xi32, #tpu.memory_space<hbm>>
        %dma_wait3A_368 = tpu.memref_slice %arg2[%mul3A_135] : memref<819200xi32, #tpu.memory_space<hbm>> -> memref<400xi32, #tpu.memory_space<hbm>>
        tpu.wait_dma2 semaphore(%run_scoped3A : memref<!tpu.dma_semaphore, #tpu.memory_space<semaphore_mem>>) src(%dma_wait3A_368 : memref<400xi32, #tpu.memory_space<hbm>>) dst(%arg8 : memref<400xi32, #tpu.memory_space<vmem>>)
        tpu.yield
      }) : () -> ()
      %gt3A = arith.constant 0 : i32
      %gt3A_136 = arith.cmpi sgt, %scan3A_126, %gt3A : i32
      %convert_element_type3A = arith.extui %gt3A_136 : i1 to i32
      %cond3A = arith.constant 0 : i32
      %cond3A_137 = arith.cmpi ne, %convert_element_type3A, %cond3A : i32
      scf.if %cond3A_137 {
        %sub3A = arith.constant 1 : i32
        %sub3A_365 = arith.subi %scan3A_126, %sub3A : i32
        %mul3A_366 = arith.constant 4 : i32
        %mul3A_367 = arith.muli %mul3A_366, %sub3A_365 : i32
        %add3A_368 = arith.addi %mul3A_2, %mul3A_367 : i32
        %add3A_369 = arith.constant 2 : i32
        %add3A_370 = arith.addi %add3A_368, %add3A_369 : i32
        %mul3A_371 = arith.constant 200 : i32
        %mul3A_372 = arith.muli %add3A_370, %mul3A_371 : i32
        %add3A_373 = arith.constant 0 : i32
        %add3A_374 = arith.addi %mul3A_372, %add3A_373 : i32
        %dma_wait3A_375 = arith.constant 0 : i32
        %dma_wait3A_376 = tpu.memref_slice %arg5[%add3A_374, %dma_wait3A_375] : memref<819200x128xf32, #tpu.memory_space<hbm>> -> memref<104x128xf32, #tpu.memory_space<hbm>>
        %dma_wait3A_377 = arith.constant 0 : i32
        %dma_wait3A_378 = tpu.memref_slice %arg5[%add3A_374, %dma_wait3A_377] : memref<819200x128xf32, #tpu.memory_space<hbm>> -> memref<104x128xf32, #tpu.memory_space<hbm>>
        tpu.wait_dma2 semaphore(%arg29 : memref<!tpu.dma_semaphore, #tpu.memory_space<semaphore_mem>>) src(%arg13 : memref<104x128xf32, #tpu.memory_space<vmem>>) dst(%dma_wait3A_378 : memref<104x128xf32, #tpu.memory_space<hbm>>)
      } else {
      }
      %dma_start3A_138 = arith.constant 0 : i32
      %dma_start3A_139 = tpu.memref_slice %arg8[%dma_start3A_138] : memref<400xi32, #tpu.memory_space<vmem>> -> memref<104xi32, #tpu.memory_space<vmem>>
      %dma_start3A_140 = arith.constant 0 : i32
      %dma_start3A_141 = arith.constant 0 : i32
      %dma_start3A_142 = tpu.memref_slice %arg3[%dma_start3A_140, %dma_start3A_141] : memref<1000000x128xf32, #tpu.memory_space<hbm>> -> memref<1000000x128xf32, #tpu.memory_space<hbm>>
      tpu.enqueue_indirect_dma source(%dma_start3A_142 : memref<1000000x128xf32, #tpu.memory_space<hbm>>) target(%arg13 : memref<104x128xf32, #tpu.memory_space<vmem>>) offsets(%dma_start3A_139 : memref<104xi32, #tpu.memory_space<vmem>>) semaphore(%arg21 : memref<!tpu.dma_semaphore, #tpu.memory_space<semaphore_mem>>)
      %gt3A_143 = arith.constant 0 : i32
      %gt3A_144 = arith.cmpi sgt, %scan3A_126, %gt3A_143 : i32
      %convert_element_type3A_145 = arith.extui %gt3A_144 : i1 to i32
      %cond3A_146 = arith.constant 0 : i32
      %cond3A_147 = arith.cmpi ne, %convert_element_type3A_145, %cond3A_146 : i32
      scf.if %cond3A_147 {
        %sub3A = arith.constant 1 : i32
        %sub3A_365 = arith.subi %scan3A_126, %sub3A : i32
        %mul3A_366 = arith.constant 4 : i32
        %mul3A_367 = arith.muli %mul3A_366, %sub3A_365 : i32
        %add3A_368 = arith.addi %mul3A_2, %mul3A_367 : i32
        %add3A_369 = arith.constant 2 : i32
        %add3A_370 = arith.addi %add3A_368, %add3A_369 : i32
        %mul3A_371 = arith.constant 200 : i32
        %mul3A_372 = arith.muli %add3A_370, %mul3A_371 : i32
        %add3A_373 = arith.constant 104 : i32
        %add3A_374 = arith.addi %mul3A_372, %add3A_373 : i32
        %dma_wait3A_375 = arith.constant 0 : i32
        %dma_wait3A_376 = tpu.memref_slice %arg5[%add3A_374, %dma_wait3A_375] : memref<819200x128xf32, #tpu.memory_space<hbm>> -> memref<96x128xf32, #tpu.memory_space<hbm>>
        %dma_wait3A_377 = arith.constant 0 : i32
        %dma_wait3A_378 = tpu.memref_slice %arg5[%add3A_374, %dma_wait3A_377] : memref<819200x128xf32, #tpu.memory_space<hbm>> -> memref<96x128xf32, #tpu.memory_space<hbm>>
        tpu.wait_dma2 semaphore(%arg30 : memref<!tpu.dma_semaphore, #tpu.memory_space<semaphore_mem>>) src(%arg14 : memref<96x128xf32, #tpu.memory_space<vmem>>) dst(%dma_wait3A_378 : memref<96x128xf32, #tpu.memory_space<hbm>>)
      } else {
      }
      %dma_start3A_148 = arith.constant 104 : i32
      %dma_start3A_149 = tpu.memref_slice %arg8[%dma_start3A_148] : memref<400xi32, #tpu.memory_space<vmem>> -> memref<96xi32, #tpu.memory_space<vmem>>
      %dma_start3A_150 = arith.constant 0 : i32
      %dma_start3A_151 = arith.constant 0 : i32
      %dma_start3A_152 = tpu.memref_slice %arg3[%dma_start3A_150, %dma_start3A_151] : memref<1000000x128xf32, #tpu.memory_space<hbm>> -> memref<1000000x128xf32, #tpu.memory_space<hbm>>
      tpu.enqueue_indirect_dma source(%dma_start3A_152 : memref<1000000x128xf32, #tpu.memory_space<hbm>>) target(%arg14 : memref<96x128xf32, #tpu.memory_space<vmem>>) offsets(%dma_start3A_149 : memref<96xi32, #tpu.memory_space<vmem>>) semaphore(%arg22 : memref<!tpu.dma_semaphore, #tpu.memory_space<semaphore_mem>>)
      %dma_wait3A_153 = arith.constant 0 : i32
      %dma_wait3A_154 = tpu.memref_slice %arg7[%dma_wait3A_153] : memref<400xi32, #tpu.memory_space<vmem>> -> memref<104xi32, #tpu.memory_space<vmem>>
      %dma_wait3A_155 = arith.constant 0 : i32
      %dma_wait3A_156 = arith.constant 0 : i32
      %dma_wait3A_157 = tpu.memref_slice %arg3[%dma_wait3A_155, %dma_wait3A_156] : memref<1000000x128xf32, #tpu.memory_space<hbm>> -> memref<1000000x128xf32, #tpu.memory_space<hbm>>
      tpu.wait_indirect_dma semaphore(%arg17 : memref<!tpu.dma_semaphore, #tpu.memory_space<semaphore_mem>>) src(%dma_wait3A_157 : memref<1000000x128xf32, #tpu.memory_space<hbm>>) dst(%arg9 : memref<104x128xf32, #tpu.memory_space<vmem>>)
      %dma_wait3A_158 = arith.constant 0 : i32
      %dma_wait3A_159 = tpu.memref_slice %arg7[%dma_wait3A_158] : memref<400xi32, #tpu.memory_space<vmem>> -> memref<104xi32, #tpu.memory_space<vmem>>
      %dma_wait3A_160 = arith.constant 0 : i32
      %dma_wait3A_161 = arith.constant 0 : i32
      %dma_wait3A_162 = tpu.memref_slice %arg3[%dma_wait3A_160, %dma_wait3A_161] : memref<1000000x128xf32, #tpu.memory_space<hbm>> -> memref<1000000x128xf32, #tpu.memory_space<hbm>>
      tpu.wait_indirect_dma semaphore(%arg19 : memref<!tpu.dma_semaphore, #tpu.memory_space<semaphore_mem>>) src(%dma_wait3A_162 : memref<1000000x128xf32, #tpu.memory_space<hbm>>) dst(%arg11 : memref<104x128xf32, #tpu.memory_space<vmem>>)
      %scan3A_163 = arith.constant 0 : i32
      %scan3A_164 = arith.constant 0 : i32
      %scan3A_165 = arith.constant 104 : i32
      %scan3A_166 = arith.addi %scan3A_164, %scan3A_165 : i32
      %scan3A_167 = arith.constant 1 : i32
      scf.for %scan3A_365 = %scan3A_164 to %scan3A_166 step %scan3A_167  : i32 {
        %add3A_366 = arith.constant 0 : i32
        %add3A_367 = arith.addi %add3A_366, %scan3A_365 : i32
        %get3A = arith.index_cast %add3A_367 : i32 to index
        %get3A_368 = arith.constant 0 : index
        %get3A_369 = tpu.vector_load %arg6[%get3A, %get3A_368] {strides = array<i32>} : memref<200x128xf32, #tpu.memory_space<vmem>>, vector<1x16xf32>,
        %get3A_370 = vector.shape_cast %get3A_369 : vector<1x16xf32> to vector<16xf32>
        %get3A_371 = arith.index_cast %scan3A_365 : i32 to index
        %get3A_372 = arith.constant 0 : index
        %get3A_373 = tpu.vector_load %arg9[%get3A_371, %get3A_372] {strides = array<i32>} : memref<104x128xf32, #tpu.memory_space<vmem>>, vector<1x16xf32>,
        %get3A_374 = vector.shape_cast %get3A_373 : vector<1x16xf32> to vector<16xf32>
        %mul3A_375 = arith.constant 11.3137083 : f32
        %mul3A_376 = vector.broadcast %mul3A_375 : f32 to vector<16xf32>
        %mul3A_377 = arith.mulf %get3A_374, %mul3A_376 : vector<16xf32>
        %add3A_378 = arith.addf %mul3A_377, %get3A_370 : vector<16xf32>
        %swap3A = arith.index_cast %scan3A_365 : i32 to index
        %swap3A_379 = arith.constant 0 : index
        %swap3A_380 = tpu.vector_load %arg9[%swap3A, %swap3A_379] {strides = array<i32>} : memref<104x128xf32, #tpu.memory_space<vmem>>, vector<1x16xf32>,
        %swap3A_381 = vector.shape_cast %swap3A_380 : vector<1x16xf32> to vector<16xf32>
        %swap3A_382 = vector.shape_cast %add3A_378 : vector<16xf32> to vector<1x16xf32>
        tpu.vector_store %arg9[%swap3A, %swap3A_379], %swap3A_382 {strides = array<i32>} : memref<104x128xf32, #tpu.memory_space<vmem>>, vector<1x16xf32>,
        %get3A_383 = arith.index_cast %scan3A_365 : i32 to index
        %get3A_384 = arith.constant 0 : index
        %get3A_385 = tpu.vector_load %arg11[%get3A_383, %get3A_384] {strides = array<i32>} : memref<104x128xf32, #tpu.memory_space<vmem>>, vector<1x16xf32>,
        %get3A_386 = vector.shape_cast %get3A_385 : vector<1x16xf32> to vector<16xf32>
        %mul3A_387 = arith.constant 11.3137083 : f32
        %mul3A_388 = vector.broadcast %mul3A_387 : f32 to vector<16xf32>
        %mul3A_389 = arith.mulf %get3A_386, %mul3A_388 : vector<16xf32>
        %add3A_390 = arith.addf %mul3A_389, %get3A_370 : vector<16xf32>
        %swap3A_391 = arith.index_cast %scan3A_365 : i32 to index
        %swap3A_392 = arith.constant 0 : index
        %swap3A_393 = tpu.vector_load %arg11[%swap3A_391, %swap3A_392] {strides = array<i32>} : memref<104x128xf32, #tpu.memory_space<vmem>>, vector<1x16xf32>,
        %swap3A_394 = vector.shape_cast %swap3A_393 : vector<1x16xf32> to vector<16xf32>
        %swap3A_395 = vector.shape_cast %add3A_390 : vector<16xf32> to vector<1x16xf32>
        tpu.vector_store %arg11[%swap3A_391, %swap3A_392], %swap3A_395 {strides = array<i32>} : memref<104x128xf32, #tpu.memory_space<vmem>>, vector<1x16xf32>,
        %add3A_396 = arith.constant 0 : i32
        %add3A_397 = arith.addi %add3A_396, %scan3A_365 : i32
        %get3A_398 = arith.index_cast %add3A_397 : i32 to index
        %get3A_399 = arith.constant 16 : index
        %get3A_400 = tpu.vector_load %arg6[%get3A_398, %get3A_399] {strides = array<i32>} : memref<200x128xf32, #tpu.memory_space<vmem>>, vector<1x16xf32>,
        %get3A_401 = vector.shape_cast %get3A_400 : vector<1x16xf32> to vector<16xf32>
        %get3A_402 = arith.index_cast %scan3A_365 : i32 to index
        %get3A_403 = arith.constant 16 : index
        %get3A_404 = tpu.vector_load %arg9[%get3A_402, %get3A_403] {strides = array<i32>} : memref<104x128xf32, #tpu.memory_space<vmem>>, vector<1x16xf32>,
        %get3A_405 = vector.shape_cast %get3A_404 : vector<1x16xf32> to vector<16xf32>
        %mul3A_406 = arith.constant 11.3137083 : f32
        %mul3A_407 = vector.broadcast %mul3A_406 : f32 to vector<16xf32>
        %mul3A_408 = arith.mulf %get3A_405, %mul3A_407 : vector<16xf32>
        %add3A_409 = arith.addf %mul3A_408, %get3A_401 : vector<16xf32>
        %swap3A_410 = arith.index_cast %scan3A_365 : i32 to index
        %swap3A_411 = arith.constant 16 : index
        %swap3A_412 = tpu.vector_load %arg9[%swap3A_410, %swap3A_411] {strides = array<i32>} : memref<104x128xf32, #tpu.memory_space<vmem>>, vector<1x16xf32>,
        %swap3A_413 = vector.shape_cast %swap3A_412 : vector<1x16xf32> to vector<16xf32>
        %swap3A_414 = vector.shape_cast %add3A_409 : vector<16xf32> to vector<1x16xf32>
        tpu.vector_store %arg9[%swap3A_410, %swap3A_411], %swap3A_414 {strides = array<i32>} : memref<104x128xf32, #tpu.memory_space<vmem>>, vector<1x16xf32>,
        %get3A_415 = arith.index_cast %scan3A_365 : i32 to index
        %get3A_416 = arith.constant 16 : index
        %get3A_417 = tpu.vector_load %arg11[%get3A_415, %get3A_416] {strides = array<i32>} : memref<104x128xf32, #tpu.memory_space<vmem>>, vector<1x16xf32>,
        %get3A_418 = vector.shape_cast %get3A_417 : vector<1x16xf32> to vector<16xf32>
        %mul3A_419 = arith.constant 11.3137083 : f32
        %mul3A_420 = vector.broadcast %mul3A_419 : f32 to vector<16xf32>
        %mul3A_421 = arith.mulf %get3A_418, %mul3A_420 : vector<16xf32>
        %add3A_422 = arith.addf %mul3A_421, %get3A_401 : vector<16xf32>
        %swap3A_423 = arith.index_cast %scan3A_365 : i32 to index
        %swap3A_424 = arith.constant 16 : index
        %swap3A_425 = tpu.vector_load %arg11[%swap3A_423, %swap3A_424] {strides = array<i32>} : memref<104x128xf32, #tpu.memory_space<vmem>>, vector<1x16xf32>,
        %swap3A_426 = vector.shape_cast %swap3A_425 : vector<1x16xf32> to vector<16xf32>
        %swap3A_427 = vector.shape_cast %add3A_422 : vector<16xf32> to vector<1x16xf32>
        tpu.vector_store %arg11[%swap3A_423, %swap3A_424], %swap3A_427 {strides = array<i32>} : memref<104x128xf32, #tpu.memory_space<vmem>>, vector<1x16xf32>,
        %add3A_428 = arith.constant 0 : i32
        %add3A_429 = arith.addi %add3A_428, %scan3A_365 : i32
        %get3A_430 = arith.index_cast %add3A_429 : i32 to index
        %get3A_431 = arith.constant 32 : index
        %get3A_432 = tpu.vector_load %arg6[%get3A_430, %get3A_431] {strides = array<i32>} : memref<200x128xf32, #tpu.memory_space<vmem>>, vector<1x16xf32>,
        %get3A_433 = vector.shape_cast %get3A_432 : vector<1x16xf32> to vector<16xf32>
        %get3A_434 = arith.index_cast %scan3A_365 : i32 to index
        %get3A_435 = arith.constant 32 : index
        %get3A_436 = tpu.vector_load %arg9[%get3A_434, %get3A_435] {strides = array<i32>} : memref<104x128xf32, #tpu.memory_space<vmem>>, vector<1x16xf32>,
        %get3A_437 = vector.shape_cast %get3A_436 : vector<1x16xf32> to vector<16xf32>
        %mul3A_438 = arith.constant 11.3137083 : f32
        %mul3A_439 = vector.broadcast %mul3A_438 : f32 to vector<16xf32>
        %mul3A_440 = arith.mulf %get3A_437, %mul3A_439 : vector<16xf32>
        %add3A_441 = arith.addf %mul3A_440, %get3A_433 : vector<16xf32>
        %swap3A_442 = arith.index_cast %scan3A_365 : i32 to index
        %swap3A_443 = arith.constant 32 : index
        %swap3A_444 = tpu.vector_load %arg9[%swap3A_442, %swap3A_443] {strides = array<i32>} : memref<104x128xf32, #tpu.memory_space<vmem>>, vector<1x16xf32>,
        %swap3A_445 = vector.shape_cast %swap3A_444 : vector<1x16xf32> to vector<16xf32>
        %swap3A_446 = vector.shape_cast %add3A_441 : vector<16xf32> to vector<1x16xf32>
        tpu.vector_store %arg9[%swap3A_442, %swap3A_443], %swap3A_446 {strides = array<i32>} : memref<104x128xf32, #tpu.memory_space<vmem>>, vector<1x16xf32>,
        %get3A_447 = arith.index_cast %scan3A_365 : i32 to index
        %get3A_448 = arith.constant 32 : index
        %get3A_449 = tpu.vector_load %arg11[%get3A_447, %get3A_448] {strides = array<i32>} : memref<104x128xf32, #tpu.memory_space<vmem>>, vector<1x16xf32>,
        %get3A_450 = vector.shape_cast %get3A_449 : vector<1x16xf32> to vector<16xf32>
        %mul3A_451 = arith.constant 11.3137083 : f32
        %mul3A_452 = vector.broadcast %mul3A_451 : f32 to vector<16xf32>
        %mul3A_453 = arith.mulf %get3A_450, %mul3A_452 : vector<16xf32>
        %add3A_454 = arith.addf %mul3A_453, %get3A_433 : vector<16xf32>
        %swap3A_455 = arith.index_cast %scan3A_365 : i32 to index
        %swap3A_456 = arith.constant 32 : index
        %swap3A_457 = tpu.vector_load %arg11[%swap3A_455, %swap3A_456] {strides = array<i32>} : memref<104x128xf32, #tpu.memory_space<vmem>>, vector<1x16xf32>,
        %swap3A_458 = vector.shape_cast %swap3A_457 : vector<1x16xf32> to vector<16xf32>
        %swap3A_459 = vector.shape_cast %add3A_454 : vector<16xf32> to vector<1x16xf32>
        tpu.vector_store %arg11[%swap3A_455, %swap3A_456], %swap3A_459 {strides = array<i32>} : memref<104x128xf32, #tpu.memory_space<vmem>>, vector<1x16xf32>,
        %add3A_460 = arith.constant 0 : i32
        %add3A_461 = arith.addi %add3A_460, %scan3A_365 : i32
        %get3A_462 = arith.index_cast %add3A_461 : i32 to index
        %get3A_463 = arith.constant 48 : index
        %get3A_464 = tpu.vector_load %arg6[%get3A_462, %get3A_463] {strides = array<i32>} : memref<200x128xf32, #tpu.memory_space<vmem>>, vector<1x16xf32>,
        %get3A_465 = vector.shape_cast %get3A_464 : vector<1x16xf32> to vector<16xf32>
        %get3A_466 = arith.index_cast %scan3A_365 : i32 to index
        %get3A_467 = arith.constant 48 : index
        %get3A_468 = tpu.vector_load %arg9[%get3A_466, %get3A_467] {strides = array<i32>} : memref<104x128xf32, #tpu.memory_space<vmem>>, vector<1x16xf32>,
        %get3A_469 = vector.shape_cast %get3A_468 : vector<1x16xf32> to vector<16xf32>
        %mul3A_470 = arith.constant 11.3137083 : f32
        %mul3A_471 = vector.broadcast %mul3A_470 : f32 to vector<16xf32>
        %mul3A_472 = arith.mulf %get3A_469, %mul3A_471 : vector<16xf32>
        %add3A_473 = arith.addf %mul3A_472, %get3A_465 : vector<16xf32>
        %swap3A_474 = arith.index_cast %scan3A_365 : i32 to index
        %swap3A_475 = arith.constant 48 : index
        %swap3A_476 = tpu.vector_load %arg9[%swap3A_474, %swap3A_475] {strides = array<i32>} : memref<104x128xf32, #tpu.memory_space<vmem>>, vector<1x16xf32>,
        %swap3A_477 = vector.shape_cast %swap3A_476 : vector<1x16xf32> to vector<16xf32>
        %swap3A_478 = vector.shape_cast %add3A_473 : vector<16xf32> to vector<1x16xf32>
        tpu.vector_store %arg9[%swap3A_474, %swap3A_475], %swap3A_478 {strides = array<i32>} : memref<104x128xf32, #tpu.memory_space<vmem>>, vector<1x16xf32>,
        %get3A_479 = arith.index_cast %scan3A_365 : i32 to index
        %get3A_480 = arith.constant 48 : index
        %get3A_481 = tpu.vector_load %arg11[%get3A_479, %get3A_480] {strides = array<i32>} : memref<104x128xf32, #tpu.memory_space<vmem>>, vector<1x16xf32>,
        %get3A_482 = vector.shape_cast %get3A_481 : vector<1x16xf32> to vector<16xf32>
        %mul3A_483 = arith.constant 11.3137083 : f32
        %mul3A_484 = vector.broadcast %mul3A_483 : f32 to vector<16xf32>
        %mul3A_485 = arith.mulf %get3A_482, %mul3A_484 : vector<16xf32>
        %add3A_486 = arith.addf %mul3A_485, %get3A_465 : vector<16xf32>
        %swap3A_487 = arith.index_cast %scan3A_365 : i32 to index
        %swap3A_488 = arith.constant 48 : index
        %swap3A_489 = tpu.vector_load %arg11[%swap3A_487, %swap3A_488] {strides = array<i32>} : memref<104x128xf32, #tpu.memory_space<vmem>>, vector<1x16xf32>,
        %swap3A_490 = vector.shape_cast %swap3A_489 : vector<1x16xf32> to vector<16xf32>
        %swap3A_491 = vector.shape_cast %add3A_486 : vector<16xf32> to vector<1x16xf32>
        tpu.vector_store %arg11[%swap3A_487, %swap3A_488], %swap3A_491 {strides = array<i32>} : memref<104x128xf32, #tpu.memory_space<vmem>>, vector<1x16xf32>,
        %add3A_492 = arith.constant 0 : i32
        %add3A_493 = arith.addi %add3A_492, %scan3A_365 : i32
        %get3A_494 = arith.index_cast %add3A_493 : i32 to index
        %get3A_495 = arith.constant 64 : index
        %get3A_496 = tpu.vector_load %arg6[%get3A_494, %get3A_495] {strides = array<i32>} : memref<200x128xf32, #tpu.memory_space<vmem>>, vector<1x16xf32>,
        %get3A_497 = vector.shape_cast %get3A_496 : vector<1x16xf32> to vector<16xf32>
        %get3A_498 = arith.index_cast %scan3A_365 : i32 to index
        %get3A_499 = arith.constant 64 : index
        %get3A_500 = tpu.vector_load %arg9[%get3A_498, %get3A_499] {strides = array<i32>} : memref<104x128xf32, #tpu.memory_space<vmem>>, vector<1x16xf32>,
        %get3A_501 = vector.shape_cast %get3A_500 : vector<1x16xf32> to vector<16xf32>
        %mul3A_502 = arith.constant 11.3137083 : f32
        %mul3A_503 = vector.broadcast %mul3A_502 : f32 to vector<16xf32>
        %mul3A_504 = arith.mulf %get3A_501, %mul3A_503 : vector<16xf32>
        %add3A_505 = arith.addf %mul3A_504, %get3A_497 : vector<16xf32>
        %swap3A_506 = arith.index_cast %scan3A_365 : i32 to index
        %swap3A_507 = arith.constant 64 : index
        %swap3A_508 = tpu.vector_load %arg9[%swap3A_506, %swap3A_507] {strides = array<i32>} : memref<104x128xf32, #tpu.memory_space<vmem>>, vector<1x16xf32>,
        %swap3A_509 = vector.shape_cast %swap3A_508 : vector<1x16xf32> to vector<16xf32>
        %swap3A_510 = vector.shape_cast %add3A_505 : vector<16xf32> to vector<1x16xf32>
        tpu.vector_store %arg9[%swap3A_506, %swap3A_507], %swap3A_510 {strides = array<i32>} : memref<104x128xf32, #tpu.memory_space<vmem>>, vector<1x16xf32>,
        %get3A_511 = arith.index_cast %scan3A_365 : i32 to index
        %get3A_512 = arith.constant 64 : index
        %get3A_513 = tpu.vector_load %arg11[%get3A_511, %get3A_512] {strides = array<i32>} : memref<104x128xf32, #tpu.memory_space<vmem>>, vector<1x16xf32>,
        %get3A_514 = vector.shape_cast %get3A_513 : vector<1x16xf32> to vector<16xf32>
        %mul3A_515 = arith.constant 11.3137083 : f32
        %mul3A_516 = vector.broadcast %mul3A_515 : f32 to vector<16xf32>
        %mul3A_517 = arith.mulf %get3A_514, %mul3A_516 : vector<16xf32>
        %add3A_518 = arith.addf %mul3A_517, %get3A_497 : vector<16xf32>
        %swap3A_519 = arith.index_cast %scan3A_365 : i32 to index
        %swap3A_520 = arith.constant 64 : index
        %swap3A_521 = tpu.vector_load %arg11[%swap3A_519, %swap3A_520] {strides = array<i32>} : memref<104x128xf32, #tpu.memory_space<vmem>>, vector<1x16xf32>,
        %swap3A_522 = vector.shape_cast %swap3A_521 : vector<1x16xf32> to vector<16xf32>
        %swap3A_523 = vector.shape_cast %add3A_518 : vector<16xf32> to vector<1x16xf32>
        tpu.vector_store %arg11[%swap3A_519, %swap3A_520], %swap3A_523 {strides = array<i32>} : memref<104x128xf32, #tpu.memory_space<vmem>>, vector<1x16xf32>,
        %add3A_524 = arith.constant 0 : i32
        %add3A_525 = arith.addi %add3A_524, %scan3A_365 : i32
        %get3A_526 = arith.index_cast %add3A_525 : i32 to index
        %get3A_527 = arith.constant 80 : index
        %get3A_528 = tpu.vector_load %arg6[%get3A_526, %get3A_527] {strides = array<i32>} : memref<200x128xf32, #tpu.memory_space<vmem>>, vector<1x16xf32>,
        %get3A_529 = vector.shape_cast %get3A_528 : vector<1x16xf32> to vector<16xf32>
        %get3A_530 = arith.index_cast %scan3A_365 : i32 to index
        %get3A_531 = arith.constant 80 : index
        %get3A_532 = tpu.vector_load %arg9[%get3A_530, %get3A_531] {strides = array<i32>} : memref<104x128xf32, #tpu.memory_space<vmem>>, vector<1x16xf32>,
        %get3A_533 = vector.shape_cast %get3A_532 : vector<1x16xf32> to vector<16xf32>
        %mul3A_534 = arith.constant 11.3137083 : f32
        %mul3A_535 = vector.broadcast %mul3A_534 : f32 to vector<16xf32>
        %mul3A_536 = arith.mulf %get3A_533, %mul3A_535 : vector<16xf32>
        %add3A_537 = arith.addf %mul3A_536, %get3A_529 : vector<16xf32>
        %swap3A_538 = arith.index_cast %scan3A_365 : i32 to index
        %swap3A_539 = arith.constant 80 : index
        %swap3A_540 = tpu.vector_load %arg9[%swap3A_538, %swap3A_539] {strides = array<i32>} : memref<104x128xf32, #tpu.memory_space<vmem>>, vector<1x16xf32>,
        %swap3A_541 = vector.shape_cast %swap3A_540 : vector<1x16xf32> to vector<16xf32>
        %swap3A_542 = vector.shape_cast %add3A_537 : vector<16xf32> to vector<1x16xf32>
        tpu.vector_store %arg9[%swap3A_538, %swap3A_539], %swap3A_542 {strides = array<i32>} : memref<104x128xf32, #tpu.memory_space<vmem>>, vector<1x16xf32>,
        %get3A_543 = arith.index_cast %scan3A_365 : i32 to index
        %get3A_544 = arith.constant 80 : index
        %get3A_545 = tpu.vector_load %arg11[%get3A_543, %get3A_544] {strides = array<i32>} : memref<104x128xf32, #tpu.memory_space<vmem>>, vector<1x16xf32>,
        %get3A_546 = vector.shape_cast %get3A_545 : vector<1x16xf32> to vector<16xf32>
        %mul3A_547 = arith.constant 11.3137083 : f32
        %mul3A_548 = vector.broadcast %mul3A_547 : f32 to vector<16xf32>
        %mul3A_549 = arith.mulf %get3A_546, %mul3A_548 : vector<16xf32>
        %add3A_550 = arith.addf %mul3A_549, %get3A_529 : vector<16xf32>
        %swap3A_551 = arith.index_cast %scan3A_365 : i32 to index
        %swap3A_552 = arith.constant 80 : index
        %swap3A_553 = tpu.vector_load %arg11[%swap3A_551, %swap3A_552] {strides = array<i32>} : memref<104x128xf32, #tpu.memory_space<vmem>>, vector<1x16xf32>,
        %swap3A_554 = vector.shape_cast %swap3A_553 : vector<1x16xf32> to vector<16xf32>
        %swap3A_555 = vector.shape_cast %add3A_550 : vector<16xf32> to vector<1x16xf32>
        tpu.vector_store %arg11[%swap3A_551, %swap3A_552], %swap3A_555 {strides = array<i32>} : memref<104x128xf32, #tpu.memory_space<vmem>>, vector<1x16xf32>,
        %add3A_556 = arith.constant 0 : i32
        %add3A_557 = arith.addi %add3A_556, %scan3A_365 : i32
        %get3A_558 = arith.index_cast %add3A_557 : i32 to index
        %get3A_559 = arith.constant 96 : index
        %get3A_560 = tpu.vector_load %arg6[%get3A_558, %get3A_559] {strides = array<i32>} : memref<200x128xf32, #tpu.memory_space<vmem>>, vector<1x16xf32>,
        %get3A_561 = vector.shape_cast %get3A_560 : vector<1x16xf32> to vector<16xf32>
        %get3A_562 = arith.index_cast %scan3A_365 : i32 to index
        %get3A_563 = arith.constant 96 : index
        %get3A_564 = tpu.vector_load %arg9[%get3A_562, %get3A_563] {strides = array<i32>} : memref<104x128xf32, #tpu.memory_space<vmem>>, vector<1x16xf32>,
        %get3A_565 = vector.shape_cast %get3A_564 : vector<1x16xf32> to vector<16xf32>
        %mul3A_566 = arith.constant 11.3137083 : f32
        %mul3A_567 = vector.broadcast %mul3A_566 : f32 to vector<16xf32>
        %mul3A_568 = arith.mulf %get3A_565, %mul3A_567 : vector<16xf32>
        %add3A_569 = arith.addf %mul3A_568, %get3A_561 : vector<16xf32>
        %swap3A_570 = arith.index_cast %scan3A_365 : i32 to index
        %swap3A_571 = arith.constant 96 : index
        %swap3A_572 = tpu.vector_load %arg9[%swap3A_570, %swap3A_571] {strides = array<i32>} : memref<104x128xf32, #tpu.memory_space<vmem>>, vector<1x16xf32>,
        %swap3A_573 = vector.shape_cast %swap3A_572 : vector<1x16xf32> to vector<16xf32>
        %swap3A_574 = vector.shape_cast %add3A_569 : vector<16xf32> to vector<1x16xf32>
        tpu.vector_store %arg9[%swap3A_570, %swap3A_571], %swap3A_574 {strides = array<i32>} : memref<104x128xf32, #tpu.memory_space<vmem>>, vector<1x16xf32>,
        %get3A_575 = arith.index_cast %scan3A_365 : i32 to index
        %get3A_576 = arith.constant 96 : index
        %get3A_577 = tpu.vector_load %arg11[%get3A_575, %get3A_576] {strides = array<i32>} : memref<104x128xf32, #tpu.memory_space<vmem>>, vector<1x16xf32>,
        %get3A_578 = vector.shape_cast %get3A_577 : vector<1x16xf32> to vector<16xf32>
        %mul3A_579 = arith.constant 11.3137083 : f32
        %mul3A_580 = vector.broadcast %mul3A_579 : f32 to vector<16xf32>
        %mul3A_581 = arith.mulf %get3A_578, %mul3A_580 : vector<16xf32>
        %add3A_582 = arith.addf %mul3A_581, %get3A_561 : vector<16xf32>
        %swap3A_583 = arith.index_cast %scan3A_365 : i32 to index
        %swap3A_584 = arith.constant 96 : index
        %swap3A_585 = tpu.vector_load %arg11[%swap3A_583, %swap3A_584] {strides = array<i32>} : memref<104x128xf32, #tpu.memory_space<vmem>>, vector<1x16xf32>,
        %swap3A_586 = vector.shape_cast %swap3A_585 : vector<1x16xf32> to vector<16xf32>
        %swap3A_587 = vector.shape_cast %add3A_582 : vector<16xf32> to vector<1x16xf32>
        tpu.vector_store %arg11[%swap3A_583, %swap3A_584], %swap3A_587 {strides = array<i32>} : memref<104x128xf32, #tpu.memory_space<vmem>>, vector<1x16xf32>,
        %add3A_588 = arith.constant 0 : i32
        %add3A_589 = arith.addi %add3A_588, %scan3A_365 : i32
        %get3A_590 = arith.index_cast %add3A_589 : i32 to index
        %get3A_591 = arith.constant 112 : index
        %get3A_592 = tpu.vector_load %arg6[%get3A_590, %get3A_591] {strides = array<i32>} : memref<200x128xf32, #tpu.memory_space<vmem>>, vector<1x16xf32>,
        %get3A_593 = vector.shape_cast %get3A_592 : vector<1x16xf32> to vector<16xf32>
        %get3A_594 = arith.index_cast %scan3A_365 : i32 to index
        %get3A_595 = arith.constant 112 : index
        %get3A_596 = tpu.vector_load %arg9[%get3A_594, %get3A_595] {strides = array<i32>} : memref<104x128xf32, #tpu.memory_space<vmem>>, vector<1x16xf32>,
        %get3A_597 = vector.shape_cast %get3A_596 : vector<1x16xf32> to vector<16xf32>
        %mul3A_598 = arith.constant 11.3137083 : f32
        %mul3A_599 = vector.broadcast %mul3A_598 : f32 to vector<16xf32>
        %mul3A_600 = arith.mulf %get3A_597, %mul3A_599 : vector<16xf32>
        %add3A_601 = arith.addf %mul3A_600, %get3A_593 : vector<16xf32>
        %swap3A_602 = arith.index_cast %scan3A_365 : i32 to index
        %swap3A_603 = arith.constant 112 : index
        %swap3A_604 = tpu.vector_load %arg9[%swap3A_602, %swap3A_603] {strides = array<i32>} : memref<104x128xf32, #tpu.memory_space<vmem>>, vector<1x16xf32>,
        %swap3A_605 = vector.shape_cast %swap3A_604 : vector<1x16xf32> to vector<16xf32>
        %swap3A_606 = vector.shape_cast %add3A_601 : vector<16xf32> to vector<1x16xf32>
        tpu.vector_store %arg9[%swap3A_602, %swap3A_603], %swap3A_606 {strides = array<i32>} : memref<104x128xf32, #tpu.memory_space<vmem>>, vector<1x16xf32>,
        %get3A_607 = arith.index_cast %scan3A_365 : i32 to index
        %get3A_608 = arith.constant 112 : index
        %get3A_609 = tpu.vector_load %arg11[%get3A_607, %get3A_608] {strides = array<i32>} : memref<104x128xf32, #tpu.memory_space<vmem>>, vector<1x16xf32>,
        %get3A_610 = vector.shape_cast %get3A_609 : vector<1x16xf32> to vector<16xf32>
        %mul3A_611 = arith.constant 11.3137083 : f32
        %mul3A_612 = vector.broadcast %mul3A_611 : f32 to vector<16xf32>
        %mul3A_613 = arith.mulf %get3A_610, %mul3A_612 : vector<16xf32>
        %add3A_614 = arith.addf %mul3A_613, %get3A_593 : vector<16xf32>
        %swap3A_615 = arith.index_cast %scan3A_365 : i32 to index
        %swap3A_616 = arith.constant 112 : index
        %swap3A_617 = tpu.vector_load %arg11[%swap3A_615, %swap3A_616] {strides = array<i32>} : memref<104x128xf32, #tpu.memory_space<vmem>>, vector<1x16xf32>,
        %swap3A_618 = vector.shape_cast %swap3A_617 : vector<1x16xf32> to vector<16xf32>
        %swap3A_619 = vector.shape_cast %add3A_614 : vector<16xf32> to vector<1x16xf32>
        tpu.vector_store %arg11[%swap3A_615, %swap3A_616], %swap3A_619 {strides = array<i32>} : memref<104x128xf32, #tpu.memory_space<vmem>>, vector<1x16xf32>,
      }
      %scan3A_168 = arith.constant 104 : i32
      %mul3A_169 = arith.constant 4 : i32
      %mul3A_170 = arith.muli %mul3A_169, %scan3A_126 : i32
      %add3A_171 = arith.addi %mul3A_2, %mul3A_170 : i32
      %add3A_172 = arith.constant 0 : i32
      %add3A_173 = arith.addi %add3A_171, %add3A_172 : i32
      %mul3A_174 = arith.constant 200 : i32
      %mul3A_175 = arith.muli %add3A_173, %mul3A_174 : i32
      %add3A_176 = arith.constant 0 : i32
      %add3A_177 = arith.addi %mul3A_175, %add3A_176 : i32
      %dma_start3A_178 = arith.constant 0 : i32
      %dma_start3A_179 = tpu.memref_slice %arg5[%add3A_177, %dma_start3A_178] : memref<819200x128xf32, #tpu.memory_space<hbm>> -> memref<104x128xf32, #tpu.memory_space<hbm>>
      %dma_start3A_180 = arith.constant 0 : i32
      %dma_start3A_181 = tpu.memref_slice %arg5[%add3A_177, %dma_start3A_180] : memref<819200x128xf32, #tpu.memory_space<hbm>> -> memref<104x128xf32, #tpu.memory_space<hbm>>
      tpu.enqueue_dma source(%arg9 : memref<104x128xf32, #tpu.memory_space<vmem>>) target(%dma_start3A_181 : memref<104x128xf32, #tpu.memory_space<hbm>>) target_semaphore(%arg25 : memref<!tpu.dma_semaphore, #tpu.memory_space<semaphore_mem>>)
      %mul3A_182 = arith.constant 4 : i32
      %mul3A_183 = arith.muli %mul3A_182, %scan3A_126 : i32
      %add3A_184 = arith.addi %mul3A_2, %mul3A_183 : i32
      %add3A_185 = arith.constant 1 : i32
      %add3A_186 = arith.addi %add3A_184, %add3A_185 : i32
      %mul3A_187 = arith.constant 200 : i32
      %mul3A_188 = arith.muli %add3A_186, %mul3A_187 : i32
      %add3A_189 = arith.constant 0 : i32
      %add3A_190 = arith.addi %mul3A_188, %add3A_189 : i32
      %dma_start3A_191 = arith.constant 0 : i32
      %dma_start3A_192 = tpu.memref_slice %arg5[%add3A_190, %dma_start3A_191] : memref<819200x128xf32, #tpu.memory_space<hbm>> -> memref<104x128xf32, #tpu.memory_space<hbm>>
      %dma_start3A_193 = arith.constant 0 : i32
      %dma_start3A_194 = tpu.memref_slice %arg5[%add3A_190, %dma_start3A_193] : memref<819200x128xf32, #tpu.memory_space<hbm>> -> memref<104x128xf32, #tpu.memory_space<hbm>>
      tpu.enqueue_dma source(%arg11 : memref<104x128xf32, #tpu.memory_space<vmem>>) target(%dma_start3A_194 : memref<104x128xf32, #tpu.memory_space<hbm>>) target_semaphore(%arg27 : memref<!tpu.dma_semaphore, #tpu.memory_space<semaphore_mem>>)
      %gt3A_195 = arith.constant 0 : i32
      %gt3A_196 = arith.cmpi sgt, %scan3A_126, %gt3A_195 : i32
      %convert_element_type3A_197 = arith.extui %gt3A_196 : i1 to i32
      %cond3A_198 = arith.constant 0 : i32
      %cond3A_199 = arith.cmpi ne, %convert_element_type3A_197, %cond3A_198 : i32
      scf.if %cond3A_199 {
        %sub3A = arith.constant 1 : i32
        %sub3A_365 = arith.subi %scan3A_126, %sub3A : i32
        %mul3A_366 = arith.constant 4 : i32
        %mul3A_367 = arith.muli %mul3A_366, %sub3A_365 : i32
        %add3A_368 = arith.addi %mul3A_2, %mul3A_367 : i32
        %add3A_369 = arith.constant 3 : i32
        %add3A_370 = arith.addi %add3A_368, %add3A_369 : i32
        %mul3A_371 = arith.constant 200 : i32
        %mul3A_372 = arith.muli %add3A_370, %mul3A_371 : i32
        %add3A_373 = arith.constant 0 : i32
        %add3A_374 = arith.addi %mul3A_372, %add3A_373 : i32
        %dma_wait3A_375 = arith.constant 0 : i32
        %dma_wait3A_376 = tpu.memref_slice %arg5[%add3A_374, %dma_wait3A_375] : memref<819200x128xf32, #tpu.memory_space<hbm>> -> memref<104x128xf32, #tpu.memory_space<hbm>>
        %dma_wait3A_377 = arith.constant 0 : i32
        %dma_wait3A_378 = tpu.memref_slice %arg5[%add3A_374, %dma_wait3A_377] : memref<819200x128xf32, #tpu.memory_space<hbm>> -> memref<104x128xf32, #tpu.memory_space<hbm>>
        tpu.wait_dma2 semaphore(%arg31 : memref<!tpu.dma_semaphore, #tpu.memory_space<semaphore_mem>>) src(%arg15 : memref<104x128xf32, #tpu.memory_space<vmem>>) dst(%dma_wait3A_378 : memref<104x128xf32, #tpu.memory_space<hbm>>)
      } else {
      }
      %dma_start3A_200 = arith.constant 200 : i32
      %dma_start3A_201 = tpu.memref_slice %arg8[%dma_start3A_200] : memref<400xi32, #tpu.memory_space<vmem>> -> memref<104xi32, #tpu.memory_space<vmem>>
      %dma_start3A_202 = arith.constant 0 : i32
      %dma_start3A_203 = arith.constant 0 : i32
      %dma_start3A_204 = tpu.memref_slice %arg3[%dma_start3A_202, %dma_start3A_203] : memref<1000000x128xf32, #tpu.memory_space<hbm>> -> memref<1000000x128xf32, #tpu.memory_space<hbm>>
      tpu.enqueue_indirect_dma source(%dma_start3A_204 : memref<1000000x128xf32, #tpu.memory_space<hbm>>) target(%arg15 : memref<104x128xf32, #tpu.memory_space<vmem>>) offsets(%dma_start3A_201 : memref<104xi32, #tpu.memory_space<vmem>>) semaphore(%arg23 : memref<!tpu.dma_semaphore, #tpu.memory_space<semaphore_mem>>)
      %dma_wait3A_205 = arith.constant 0 : i32
      %dma_wait3A_206 = tpu.memref_slice %arg7[%dma_wait3A_205] : memref<400xi32, #tpu.memory_space<vmem>> -> memref<96xi32, #tpu.memory_space<vmem>>
      %dma_wait3A_207 = arith.constant 0 : i32
      %dma_wait3A_208 = arith.constant 0 : i32
      %dma_wait3A_209 = tpu.memref_slice %arg3[%dma_wait3A_207, %dma_wait3A_208] : memref<1000000x128xf32, #tpu.memory_space<hbm>> -> memref<1000000x128xf32, #tpu.memory_space<hbm>>
      tpu.wait_indirect_dma semaphore(%arg18 : memref<!tpu.dma_semaphore, #tpu.memory_space<semaphore_mem>>) src(%dma_wait3A_209 : memref<1000000x128xf32, #tpu.memory_space<hbm>>) dst(%arg10 : memref<96x128xf32, #tpu.memory_space<vmem>>)
      %dma_wait3A_210 = arith.constant 0 : i32
      %dma_wait3A_211 = tpu.memref_slice %arg7[%dma_wait3A_210] : memref<400xi32, #tpu.memory_space<vmem>> -> memref<96xi32, #tpu.memory_space<vmem>>
      %dma_wait3A_212 = arith.constant 0 : i32
      %dma_wait3A_213 = arith.constant 0 : i32
      %dma_wait3A_214 = tpu.memref_slice %arg3[%dma_wait3A_212, %dma_wait3A_213] : memref<1000000x128xf32, #tpu.memory_space<hbm>> -> memref<1000000x128xf32, #tpu.memory_space<hbm>>
      tpu.wait_indirect_dma semaphore(%arg20 : memref<!tpu.dma_semaphore, #tpu.memory_space<semaphore_mem>>) src(%dma_wait3A_214 : memref<1000000x128xf32, #tpu.memory_space<hbm>>) dst(%arg12 : memref<96x128xf32, #tpu.memory_space<vmem>>)
      %scan3A_215 = arith.constant 0 : i32
      %scan3A_216 = arith.constant 0 : i32
      %scan3A_217 = arith.constant 96 : i32
      %scan3A_218 = arith.addi %scan3A_216, %scan3A_217 : i32
      %scan3A_219 = arith.constant 1 : i32
      scf.for %scan3A_365 = %scan3A_216 to %scan3A_218 step %scan3A_219  : i32 {
        %add3A_366 = arith.constant 104 : i32
        %add3A_367 = arith.addi %add3A_366, %scan3A_365 : i32
        %get3A = arith.index_cast %add3A_367 : i32 to index
        %get3A_368 = arith.constant 0 : index
        %get3A_369 = tpu.vector_load %arg6[%get3A, %get3A_368] {strides = array<i32>} : memref<200x128xf32, #tpu.memory_space<vmem>>, vector<1x16xf32>,
        %get3A_370 = vector.shape_cast %get3A_369 : vector<1x16xf32> to vector<16xf32>
        %get3A_371 = arith.index_cast %scan3A_365 : i32 to index
        %get3A_372 = arith.constant 0 : index
        %get3A_373 = tpu.vector_load %arg10[%get3A_371, %get3A_372] {strides = array<i32>} : memref<96x128xf32, #tpu.memory_space<vmem>>, vector<1x16xf32>,
        %get3A_374 = vector.shape_cast %get3A_373 : vector<1x16xf32> to vector<16xf32>
        %mul3A_375 = arith.constant 11.3137083 : f32
        %mul3A_376 = vector.broadcast %mul3A_375 : f32 to vector<16xf32>
        %mul3A_377 = arith.mulf %get3A_374, %mul3A_376 : vector<16xf32>
        %add3A_378 = arith.addf %mul3A_377, %get3A_370 : vector<16xf32>
        %swap3A = arith.index_cast %scan3A_365 : i32 to index
        %swap3A_379 = arith.constant 0 : index
        %swap3A_380 = tpu.vector_load %arg10[%swap3A, %swap3A_379] {strides = array<i32>} : memref<96x128xf32, #tpu.memory_space<vmem>>, vector<1x16xf32>,
        %swap3A_381 = vector.shape_cast %swap3A_380 : vector<1x16xf32> to vector<16xf32>
        %swap3A_382 = vector.shape_cast %add3A_378 : vector<16xf32> to vector<1x16xf32>
        tpu.vector_store %arg10[%swap3A, %swap3A_379], %swap3A_382 {strides = array<i32>} : memref<96x128xf32, #tpu.memory_space<vmem>>, vector<1x16xf32>,
        %get3A_383 = arith.index_cast %scan3A_365 : i32 to index
        %get3A_384 = arith.constant 0 : index
        %get3A_385 = tpu.vector_load %arg12[%get3A_383, %get3A_384] {strides = array<i32>} : memref<96x128xf32, #tpu.memory_space<vmem>>, vector<1x16xf32>,
        %get3A_386 = vector.shape_cast %get3A_385 : vector<1x16xf32> to vector<16xf32>
        %mul3A_387 = arith.constant 11.3137083 : f32
        %mul3A_388 = vector.broadcast %mul3A_387 : f32 to vector<16xf32>
        %mul3A_389 = arith.mulf %get3A_386, %mul3A_388 : vector<16xf32>
        %add3A_390 = arith.addf %mul3A_389, %get3A_370 : vector<16xf32>
        %swap3A_391 = arith.index_cast %scan3A_365 : i32 to index
        %swap3A_392 = arith.constant 0 : index
        %swap3A_393 = tpu.vector_load %arg12[%swap3A_391, %swap3A_392] {strides = array<i32>} : memref<96x128xf32, #tpu.memory_space<vmem>>, vector<1x16xf32>,
        %swap3A_394 = vector.shape_cast %swap3A_393 : vector<1x16xf32> to vector<16xf32>
        %swap3A_395 = vector.shape_cast %add3A_390 : vector<16xf32> to vector<1x16xf32>
        tpu.vector_store %arg12[%swap3A_391, %swap3A_392], %swap3A_395 {strides = array<i32>} : memref<96x128xf32, #tpu.memory_space<vmem>>, vector<1x16xf32>,
        %add3A_396 = arith.constant 104 : i32
        %add3A_397 = arith.addi %add3A_396, %scan3A_365 : i32
        %get3A_398 = arith.index_cast %add3A_397 : i32 to index
        %get3A_399 = arith.constant 16 : index
        %get3A_400 = tpu.vector_load %arg6[%get3A_398, %get3A_399] {strides = array<i32>} : memref<200x128xf32, #tpu.memory_space<vmem>>, vector<1x16xf32>,
        %get3A_401 = vector.shape_cast %get3A_400 : vector<1x16xf32> to vector<16xf32>
        %get3A_402 = arith.index_cast %scan3A_365 : i32 to index
        %get3A_403 = arith.constant 16 : index
        %get3A_404 = tpu.vector_load %arg10[%get3A_402, %get3A_403] {strides = array<i32>} : memref<96x128xf32, #tpu.memory_space<vmem>>, vector<1x16xf32>,
        %get3A_405 = vector.shape_cast %get3A_404 : vector<1x16xf32> to vector<16xf32>
        %mul3A_406 = arith.constant 11.3137083 : f32
        %mul3A_407 = vector.broadcast %mul3A_406 : f32 to vector<16xf32>
        %mul3A_408 = arith.mulf %get3A_405, %mul3A_407 : vector<16xf32>
        %add3A_409 = arith.addf %mul3A_408, %get3A_401 : vector<16xf32>
        %swap3A_410 = arith.index_cast %scan3A_365 : i32 to index
        %swap3A_411 = arith.constant 16 : index
        %swap3A_412 = tpu.vector_load %arg10[%swap3A_410, %swap3A_411] {strides = array<i32>} : memref<96x128xf32, #tpu.memory_space<vmem>>, vector<1x16xf32>,
        %swap3A_413 = vector.shape_cast %swap3A_412 : vector<1x16xf32> to vector<16xf32>
        %swap3A_414 = vector.shape_cast %add3A_409 : vector<16xf32> to vector<1x16xf32>
        tpu.vector_store %arg10[%swap3A_410, %swap3A_411], %swap3A_414 {strides = array<i32>} : memref<96x128xf32, #tpu.memory_space<vmem>>, vector<1x16xf32>,
        %get3A_415 = arith.index_cast %scan3A_365 : i32 to index
        %get3A_416 = arith.constant 16 : index
        %get3A_417 = tpu.vector_load %arg12[%get3A_415, %get3A_416] {strides = array<i32>} : memref<96x128xf32, #tpu.memory_space<vmem>>, vector<1x16xf32>,
        %get3A_418 = vector.shape_cast %get3A_417 : vector<1x16xf32> to vector<16xf32>
        %mul3A_419 = arith.constant 11.3137083 : f32
        %mul3A_420 = vector.broadcast %mul3A_419 : f32 to vector<16xf32>
        %mul3A_421 = arith.mulf %get3A_418, %mul3A_420 : vector<16xf32>
        %add3A_422 = arith.addf %mul3A_421, %get3A_401 : vector<16xf32>
        %swap3A_423 = arith.index_cast %scan3A_365 : i32 to index
        %swap3A_424 = arith.constant 16 : index
        %swap3A_425 = tpu.vector_load %arg12[%swap3A_423, %swap3A_424] {strides = array<i32>} : memref<96x128xf32, #tpu.memory_space<vmem>>, vector<1x16xf32>,
        %swap3A_426 = vector.shape_cast %swap3A_425 : vector<1x16xf32> to vector<16xf32>
        %swap3A_427 = vector.shape_cast %add3A_422 : vector<16xf32> to vector<1x16xf32>
        tpu.vector_store %arg12[%swap3A_423, %swap3A_424], %swap3A_427 {strides = array<i32>} : memref<96x128xf32, #tpu.memory_space<vmem>>, vector<1x16xf32>,
        %add3A_428 = arith.constant 104 : i32
        %add3A_429 = arith.addi %add3A_428, %scan3A_365 : i32
        %get3A_430 = arith.index_cast %add3A_429 : i32 to index
        %get3A_431 = arith.constant 32 : index
        %get3A_432 = tpu.vector_load %arg6[%get3A_430, %get3A_431] {strides = array<i32>} : memref<200x128xf32, #tpu.memory_space<vmem>>, vector<1x16xf32>,
        %get3A_433 = vector.shape_cast %get3A_432 : vector<1x16xf32> to vector<16xf32>
        %get3A_434 = arith.index_cast %scan3A_365 : i32 to index
        %get3A_435 = arith.constant 32 : index
        %get3A_436 = tpu.vector_load %arg10[%get3A_434, %get3A_435] {strides = array<i32>} : memref<96x128xf32, #tpu.memory_space<vmem>>, vector<1x16xf32>,
        %get3A_437 = vector.shape_cast %get3A_436 : vector<1x16xf32> to vector<16xf32>
        %mul3A_438 = arith.constant 11.3137083 : f32
        %mul3A_439 = vector.broadcast %mul3A_438 : f32 to vector<16xf32>
        %mul3A_440 = arith.mulf %get3A_437, %mul3A_439 : vector<16xf32>
        %add3A_441 = arith.addf %mul3A_440, %get3A_433 : vector<16xf32>
        %swap3A_442 = arith.index_cast %scan3A_365 : i32 to index
        %swap3A_443 = arith.constant 32 : index
        %swap3A_444 = tpu.vector_load %arg10[%swap3A_442, %swap3A_443] {strides = array<i32>} : memref<96x128xf32, #tpu.memory_space<vmem>>, vector<1x16xf32>,
        %swap3A_445 = vector.shape_cast %swap3A_444 : vector<1x16xf32> to vector<16xf32>
        %swap3A_446 = vector.shape_cast %add3A_441 : vector<16xf32> to vector<1x16xf32>
        tpu.vector_store %arg10[%swap3A_442, %swap3A_443], %swap3A_446 {strides = array<i32>} : memref<96x128xf32, #tpu.memory_space<vmem>>, vector<1x16xf32>,
        %get3A_447 = arith.index_cast %scan3A_365 : i32 to index
        %get3A_448 = arith.constant 32 : index
        %get3A_449 = tpu.vector_load %arg12[%get3A_447, %get3A_448] {strides = array<i32>} : memref<96x128xf32, #tpu.memory_space<vmem>>, vector<1x16xf32>,
        %get3A_450 = vector.shape_cast %get3A_449 : vector<1x16xf32> to vector<16xf32>
        %mul3A_451 = arith.constant 11.3137083 : f32
        %mul3A_452 = vector.broadcast %mul3A_451 : f32 to vector<16xf32>
        %mul3A_453 = arith.mulf %get3A_450, %mul3A_452 : vector<16xf32>
        %add3A_454 = arith.addf %mul3A_453, %get3A_433 : vector<16xf32>
        %swap3A_455 = arith.index_cast %scan3A_365 : i32 to index
        %swap3A_456 = arith.constant 32 : index
        %swap3A_457 = tpu.vector_load %arg12[%swap3A_455, %swap3A_456] {strides = array<i32>} : memref<96x128xf32, #tpu.memory_space<vmem>>, vector<1x16xf32>,
        %swap3A_458 = vector.shape_cast %swap3A_457 : vector<1x16xf32> to vector<16xf32>
        %swap3A_459 = vector.shape_cast %add3A_454 : vector<16xf32> to vector<1x16xf32>
        tpu.vector_store %arg12[%swap3A_455, %swap3A_456], %swap3A_459 {strides = array<i32>} : memref<96x128xf32, #tpu.memory_space<vmem>>, vector<1x16xf32>,
        %add3A_460 = arith.constant 104 : i32
        %add3A_461 = arith.addi %add3A_460, %scan3A_365 : i32
        %get3A_462 = arith.index_cast %add3A_461 : i32 to index
        %get3A_463 = arith.constant 48 : index
        %get3A_464 = tpu.vector_load %arg6[%get3A_462, %get3A_463] {strides = array<i32>} : memref<200x128xf32, #tpu.memory_space<vmem>>, vector<1x16xf32>,
        %get3A_465 = vector.shape_cast %get3A_464 : vector<1x16xf32> to vector<16xf32>
        %get3A_466 = arith.index_cast %scan3A_365 : i32 to index
        %get3A_467 = arith.constant 48 : index
        %get3A_468 = tpu.vector_load %arg10[%get3A_466, %get3A_467] {strides = array<i32>} : memref<96x128xf32, #tpu.memory_space<vmem>>, vector<1x16xf32>,
        %get3A_469 = vector.shape_cast %get3A_468 : vector<1x16xf32> to vector<16xf32>
        %mul3A_470 = arith.constant 11.3137083 : f32
        %mul3A_471 = vector.broadcast %mul3A_470 : f32 to vector<16xf32>
        %mul3A_472 = arith.mulf %get3A_469, %mul3A_471 : vector<16xf32>
        %add3A_473 = arith.addf %mul3A_472, %get3A_465 : vector<16xf32>
        %swap3A_474 = arith.index_cast %scan3A_365 : i32 to index
        %swap3A_475 = arith.constant 48 : index
        %swap3A_476 = tpu.vector_load %arg10[%swap3A_474, %swap3A_475] {strides = array<i32>} : memref<96x128xf32, #tpu.memory_space<vmem>>, vector<1x16xf32>,
        %swap3A_477 = vector.shape_cast %swap3A_476 : vector<1x16xf32> to vector<16xf32>
        %swap3A_478 = vector.shape_cast %add3A_473 : vector<16xf32> to vector<1x16xf32>
        tpu.vector_store %arg10[%swap3A_474, %swap3A_475], %swap3A_478 {strides = array<i32>} : memref<96x128xf32, #tpu.memory_space<vmem>>, vector<1x16xf32>,
        %get3A_479 = arith.index_cast %scan3A_365 : i32 to index
        %get3A_480 = arith.constant 48 : index
        %get3A_481 = tpu.vector_load %arg12[%get3A_479, %get3A_480] {strides = array<i32>} : memref<96x128xf32, #tpu.memory_space<vmem>>, vector<1x16xf32>,
        %get3A_482 = vector.shape_cast %get3A_481 : vector<1x16xf32> to vector<16xf32>
        %mul3A_483 = arith.constant 11.3137083 : f32
        %mul3A_484 = vector.broadcast %mul3A_483 : f32 to vector<16xf32>
        %mul3A_485 = arith.mulf %get3A_482, %mul3A_484 : vector<16xf32>
        %add3A_486 = arith.addf %mul3A_485, %get3A_465 : vector<16xf32>
        %swap3A_487 = arith.index_cast %scan3A_365 : i32 to index
        %swap3A_488 = arith.constant 48 : index
        %swap3A_489 = tpu.vector_load %arg12[%swap3A_487, %swap3A_488] {strides = array<i32>} : memref<96x128xf32, #tpu.memory_space<vmem>>, vector<1x16xf32>,
        %swap3A_490 = vector.shape_cast %swap3A_489 : vector<1x16xf32> to vector<16xf32>
        %swap3A_491 = vector.shape_cast %add3A_486 : vector<16xf32> to vector<1x16xf32>
        tpu.vector_store %arg12[%swap3A_487, %swap3A_488], %swap3A_491 {strides = array<i32>} : memref<96x128xf32, #tpu.memory_space<vmem>>, vector<1x16xf32>,
        %add3A_492 = arith.constant 104 : i32
        %add3A_493 = arith.addi %add3A_492, %scan3A_365 : i32
        %get3A_494 = arith.index_cast %add3A_493 : i32 to index
        %get3A_495 = arith.constant 64 : index
        %get3A_496 = tpu.vector_load %arg6[%get3A_494, %get3A_495] {strides = array<i32>} : memref<200x128xf32, #tpu.memory_space<vmem>>, vector<1x16xf32>,
        %get3A_497 = vector.shape_cast %get3A_496 : vector<1x16xf32> to vector<16xf32>
        %get3A_498 = arith.index_cast %scan3A_365 : i32 to index
        %get3A_499 = arith.constant 64 : index
        %get3A_500 = tpu.vector_load %arg10[%get3A_498, %get3A_499] {strides = array<i32>} : memref<96x128xf32, #tpu.memory_space<vmem>>, vector<1x16xf32>,
        %get3A_501 = vector.shape_cast %get3A_500 : vector<1x16xf32> to vector<16xf32>
        %mul3A_502 = arith.constant 11.3137083 : f32
        %mul3A_503 = vector.broadcast %mul3A_502 : f32 to vector<16xf32>
        %mul3A_504 = arith.mulf %get3A_501, %mul3A_503 : vector<16xf32>
        %add3A_505 = arith.addf %mul3A_504, %get3A_497 : vector<16xf32>
        %swap3A_506 = arith.index_cast %scan3A_365 : i32 to index
        %swap3A_507 = arith.constant 64 : index
        %swap3A_508 = tpu.vector_load %arg10[%swap3A_506, %swap3A_507] {strides = array<i32>} : memref<96x128xf32, #tpu.memory_space<vmem>>, vector<1x16xf32>,
        %swap3A_509 = vector.shape_cast %swap3A_508 : vector<1x16xf32> to vector<16xf32>
        %swap3A_510 = vector.shape_cast %add3A_505 : vector<16xf32> to vector<1x16xf32>
        tpu.vector_store %arg10[%swap3A_506, %swap3A_507], %swap3A_510 {strides = array<i32>} : memref<96x128xf32, #tpu.memory_space<vmem>>, vector<1x16xf32>,
        %get3A_511 = arith.index_cast %scan3A_365 : i32 to index
        %get3A_512 = arith.constant 64 : index
        %get3A_513 = tpu.vector_load %arg12[%get3A_511, %get3A_512] {strides = array<i32>} : memref<96x128xf32, #tpu.memory_space<vmem>>, vector<1x16xf32>,
        %get3A_514 = vector.shape_cast %get3A_513 : vector<1x16xf32> to vector<16xf32>
        %mul3A_515 = arith.constant 11.3137083 : f32
        %mul3A_516 = vector.broadcast %mul3A_515 : f32 to vector<16xf32>
        %mul3A_517 = arith.mulf %get3A_514, %mul3A_516 : vector<16xf32>
        %add3A_518 = arith.addf %mul3A_517, %get3A_497 : vector<16xf32>
        %swap3A_519 = arith.index_cast %scan3A_365 : i32 to index
        %swap3A_520 = arith.constant 64 : index
        %swap3A_521 = tpu.vector_load %arg12[%swap3A_519, %swap3A_520] {strides = array<i32>} : memref<96x128xf32, #tpu.memory_space<vmem>>, vector<1x16xf32>,
        %swap3A_522 = vector.shape_cast %swap3A_521 : vector<1x16xf32> to vector<16xf32>
        %swap3A_523 = vector.shape_cast %add3A_518 : vector<16xf32> to vector<1x16xf32>
        tpu.vector_store %arg12[%swap3A_519, %swap3A_520], %swap3A_523 {strides = array<i32>} : memref<96x128xf32, #tpu.memory_space<vmem>>, vector<1x16xf32>,
        %add3A_524 = arith.constant 104 : i32
        %add3A_525 = arith.addi %add3A_524, %scan3A_365 : i32
        %get3A_526 = arith.index_cast %add3A_525 : i32 to index
        %get3A_527 = arith.constant 80 : index
        %get3A_528 = tpu.vector_load %arg6[%get3A_526, %get3A_527] {strides = array<i32>} : memref<200x128xf32, #tpu.memory_space<vmem>>, vector<1x16xf32>,
        %get3A_529 = vector.shape_cast %get3A_528 : vector<1x16xf32> to vector<16xf32>
        %get3A_530 = arith.index_cast %scan3A_365 : i32 to index
        %get3A_531 = arith.constant 80 : index
        %get3A_532 = tpu.vector_load %arg10[%get3A_530, %get3A_531] {strides = array<i32>} : memref<96x128xf32, #tpu.memory_space<vmem>>, vector<1x16xf32>,
        %get3A_533 = vector.shape_cast %get3A_532 : vector<1x16xf32> to vector<16xf32>
        %mul3A_534 = arith.constant 11.3137083 : f32
        %mul3A_535 = vector.broadcast %mul3A_534 : f32 to vector<16xf32>
        %mul3A_536 = arith.mulf %get3A_533, %mul3A_535 : vector<16xf32>
        %add3A_537 = arith.addf %mul3A_536, %get3A_529 : vector<16xf32>
        %swap3A_538 = arith.index_cast %scan3A_365 : i32 to index
        %swap3A_539 = arith.constant 80 : index
        %swap3A_540 = tpu.vector_load %arg10[%swap3A_538, %swap3A_539] {strides = array<i32>} : memref<96x128xf32, #tpu.memory_space<vmem>>, vector<1x16xf32>,
        %swap3A_541 = vector.shape_cast %swap3A_540 : vector<1x16xf32> to vector<16xf32>
        %swap3A_542 = vector.shape_cast %add3A_537 : vector<16xf32> to vector<1x16xf32>
        tpu.vector_store %arg10[%swap3A_538, %swap3A_539], %swap3A_542 {strides = array<i32>} : memref<96x128xf32, #tpu.memory_space<vmem>>, vector<1x16xf32>,
        %get3A_543 = arith.index_cast %scan3A_365 : i32 to index
        %get3A_544 = arith.constant 80 : index
        %get3A_545 = tpu.vector_load %arg12[%get3A_543, %get3A_544] {strides = array<i32>} : memref<96x128xf32, #tpu.memory_space<vmem>>, vector<1x16xf32>,
        %get3A_546 = vector.shape_cast %get3A_545 : vector<1x16xf32> to vector<16xf32>
        %mul3A_547 = arith.constant 11.3137083 : f32
        %mul3A_548 = vector.broadcast %mul3A_547 : f32 to vector<16xf32>
        %mul3A_549 = arith.mulf %get3A_546, %mul3A_548 : vector<16xf32>
        %add3A_550 = arith.addf %mul3A_549, %get3A_529 : vector<16xf32>
        %swap3A_551 = arith.index_cast %scan3A_365 : i32 to index
        %swap3A_552 = arith.constant 80 : index
        %swap3A_553 = tpu.vector_load %arg12[%swap3A_551, %swap3A_552] {strides = array<i32>} : memref<96x128xf32, #tpu.memory_space<vmem>>, vector<1x16xf32>,
        %swap3A_554 = vector.shape_cast %swap3A_553 : vector<1x16xf32> to vector<16xf32>
        %swap3A_555 = vector.shape_cast %add3A_550 : vector<16xf32> to vector<1x16xf32>
        tpu.vector_store %arg12[%swap3A_551, %swap3A_552], %swap3A_555 {strides = array<i32>} : memref<96x128xf32, #tpu.memory_space<vmem>>, vector<1x16xf32>,
        %add3A_556 = arith.constant 104 : i32
        %add3A_557 = arith.addi %add3A_556, %scan3A_365 : i32
        %get3A_558 = arith.index_cast %add3A_557 : i32 to index
        %get3A_559 = arith.constant 96 : index
        %get3A_560 = tpu.vector_load %arg6[%get3A_558, %get3A_559] {strides = array<i32>} : memref<200x128xf32, #tpu.memory_space<vmem>>, vector<1x16xf32>,
        %get3A_561 = vector.shape_cast %get3A_560 : vector<1x16xf32> to vector<16xf32>
        %get3A_562 = arith.index_cast %scan3A_365 : i32 to index
        %get3A_563 = arith.constant 96 : index
        %get3A_564 = tpu.vector_load %arg10[%get3A_562, %get3A_563] {strides = array<i32>} : memref<96x128xf32, #tpu.memory_space<vmem>>, vector<1x16xf32>,
        %get3A_565 = vector.shape_cast %get3A_564 : vector<1x16xf32> to vector<16xf32>
        %mul3A_566 = arith.constant 11.3137083 : f32
        %mul3A_567 = vector.broadcast %mul3A_566 : f32 to vector<16xf32>
        %mul3A_568 = arith.mulf %get3A_565, %mul3A_567 : vector<16xf32>
        %add3A_569 = arith.addf %mul3A_568, %get3A_561 : vector<16xf32>
        %swap3A_570 = arith.index_cast %scan3A_365 : i32 to index
        %swap3A_571 = arith.constant 96 : index
        %swap3A_572 = tpu.vector_load %arg10[%swap3A_570, %swap3A_571] {strides = array<i32>} : memref<96x128xf32, #tpu.memory_space<vmem>>, vector<1x16xf32>,
        %swap3A_573 = vector.shape_cast %swap3A_572 : vector<1x16xf32> to vector<16xf32>
        %swap3A_574 = vector.shape_cast %add3A_569 : vector<16xf32> to vector<1x16xf32>
        tpu.vector_store %arg10[%swap3A_570, %swap3A_571], %swap3A_574 {strides = array<i32>} : memref<96x128xf32, #tpu.memory_space<vmem>>, vector<1x16xf32>,
        %get3A_575 = arith.index_cast %scan3A_365 : i32 to index
        %get3A_576 = arith.constant 96 : index
        %get3A_577 = tpu.vector_load %arg12[%get3A_575, %get3A_576] {strides = array<i32>} : memref<96x128xf32, #tpu.memory_space<vmem>>, vector<1x16xf32>,
        %get3A_578 = vector.shape_cast %get3A_577 : vector<1x16xf32> to vector<16xf32>
        %mul3A_579 = arith.constant 11.3137083 : f32
        %mul3A_580 = vector.broadcast %mul3A_579 : f32 to vector<16xf32>
        %mul3A_581 = arith.mulf %get3A_578, %mul3A_580 : vector<16xf32>
        %add3A_582 = arith.addf %mul3A_581, %get3A_561 : vector<16xf32>
        %swap3A_583 = arith.index_cast %scan3A_365 : i32 to index
        %swap3A_584 = arith.constant 96 : index
        %swap3A_585 = tpu.vector_load %arg12[%swap3A_583, %swap3A_584] {strides = array<i32>} : memref<96x128xf32, #tpu.memory_space<vmem>>, vector<1x16xf32>,
        %swap3A_586 = vector.shape_cast %swap3A_585 : vector<1x16xf32> to vector<16xf32>
        %swap3A_587 = vector.shape_cast %add3A_582 : vector<16xf32> to vector<1x16xf32>
        tpu.vector_store %arg12[%swap3A_583, %swap3A_584], %swap3A_587 {strides = array<i32>} : memref<96x128xf32, #tpu.memory_space<vmem>>, vector<1x16xf32>,
        %add3A_588 = arith.constant 104 : i32
        %add3A_589 = arith.addi %add3A_588, %scan3A_365 : i32
        %get3A_590 = arith.index_cast %add3A_589 : i32 to index
        %get3A_591 = arith.constant 112 : index
        %get3A_592 = tpu.vector_load %arg6[%get3A_590, %get3A_591] {strides = array<i32>} : memref<200x128xf32, #tpu.memory_space<vmem>>, vector<1x16xf32>,
        %get3A_593 = vector.shape_cast %get3A_592 : vector<1x16xf32> to vector<16xf32>
        %get3A_594 = arith.index_cast %scan3A_365 : i32 to index
        %get3A_595 = arith.constant 112 : index
        %get3A_596 = tpu.vector_load %arg10[%get3A_594, %get3A_595] {strides = array<i32>} : memref<96x128xf32, #tpu.memory_space<vmem>>, vector<1x16xf32>,
        %get3A_597 = vector.shape_cast %get3A_596 : vector<1x16xf32> to vector<16xf32>
        %mul3A_598 = arith.constant 11.3137083 : f32
        %mul3A_599 = vector.broadcast %mul3A_598 : f32 to vector<16xf32>
        %mul3A_600 = arith.mulf %get3A_597, %mul3A_599 : vector<16xf32>
        %add3A_601 = arith.addf %mul3A_600, %get3A_593 : vector<16xf32>
        %swap3A_602 = arith.index_cast %scan3A_365 : i32 to index
        %swap3A_603 = arith.constant 112 : index
        %swap3A_604 = tpu.vector_load %arg10[%swap3A_602, %swap3A_603] {strides = array<i32>} : memref<96x128xf32, #tpu.memory_space<vmem>>, vector<1x16xf32>,
        %swap3A_605 = vector.shape_cast %swap3A_604 : vector<1x16xf32> to vector<16xf32>
        %swap3A_606 = vector.shape_cast %add3A_601 : vector<16xf32> to vector<1x16xf32>
        tpu.vector_store %arg10[%swap3A_602, %swap3A_603], %swap3A_606 {strides = array<i32>} : memref<96x128xf32, #tpu.memory_space<vmem>>, vector<1x16xf32>,
        %get3A_607 = arith.index_cast %scan3A_365 : i32 to index
        %get3A_608 = arith.constant 112 : index
        %get3A_609 = tpu.vector_load %arg12[%get3A_607, %get3A_608] {strides = array<i32>} : memref<96x128xf32, #tpu.memory_space<vmem>>, vector<1x16xf32>,
        %get3A_610 = vector.shape_cast %get3A_609 : vector<1x16xf32> to vector<16xf32>
        %mul3A_611 = arith.constant 11.3137083 : f32
        %mul3A_612 = vector.broadcast %mul3A_611 : f32 to vector<16xf32>
        %mul3A_613 = arith.mulf %get3A_610, %mul3A_612 : vector<16xf32>
        %add3A_614 = arith.addf %mul3A_613, %get3A_593 : vector<16xf32>
        %swap3A_615 = arith.index_cast %scan3A_365 : i32 to index
        %swap3A_616 = arith.constant 112 : index
        %swap3A_617 = tpu.vector_load %arg12[%swap3A_615, %swap3A_616] {strides = array<i32>} : memref<96x128xf32, #tpu.memory_space<vmem>>, vector<1x16xf32>,
        %swap3A_618 = vector.shape_cast %swap3A_617 : vector<1x16xf32> to vector<16xf32>
        %swap3A_619 = vector.shape_cast %add3A_614 : vector<16xf32> to vector<1x16xf32>
        tpu.vector_store %arg12[%swap3A_615, %swap3A_616], %swap3A_619 {strides = array<i32>} : memref<96x128xf32, #tpu.memory_space<vmem>>, vector<1x16xf32>,
      }
      %scan3A_220 = arith.constant 96 : i32
      %mul3A_221 = arith.constant 4 : i32
      %mul3A_222 = arith.muli %mul3A_221, %scan3A_126 : i32
      %add3A_223 = arith.addi %mul3A_2, %mul3A_222 : i32
      %add3A_224 = arith.constant 0 : i32
      %add3A_225 = arith.addi %add3A_223, %add3A_224 : i32
      %mul3A_226 = arith.constant 200 : i32
      %mul3A_227 = arith.muli %add3A_225, %mul3A_226 : i32
      %add3A_228 = arith.constant 104 : i32
      %add3A_229 = arith.addi %mul3A_227, %add3A_228 : i32
      %dma_start3A_230 = arith.constant 0 : i32
      %dma_start3A_231 = tpu.memref_slice %arg5[%add3A_229, %dma_start3A_230] : memref<819200x128xf32, #tpu.memory_space<hbm>> -> memref<96x128xf32, #tpu.memory_space<hbm>>
      %dma_start3A_232 = arith.constant 0 : i32
      %dma_start3A_233 = tpu.memref_slice %arg5[%add3A_229, %dma_start3A_232] : memref<819200x128xf32, #tpu.memory_space<hbm>> -> memref<96x128xf32, #tpu.memory_space<hbm>>
      tpu.enqueue_dma source(%arg10 : memref<96x128xf32, #tpu.memory_space<vmem>>) target(%dma_start3A_233 : memref<96x128xf32, #tpu.memory_space<hbm>>) target_semaphore(%arg26 : memref<!tpu.dma_semaphore, #tpu.memory_space<semaphore_mem>>)
      %mul3A_234 = arith.constant 4 : i32
      %mul3A_235 = arith.muli %mul3A_234, %scan3A_126 : i32
      %add3A_236 = arith.addi %mul3A_2, %mul3A_235 : i32
      %add3A_237 = arith.constant 1 : i32
      %add3A_238 = arith.addi %add3A_236, %add3A_237 : i32
      %mul3A_239 = arith.constant 200 : i32
      %mul3A_240 = arith.muli %add3A_238, %mul3A_239 : i32
      %add3A_241 = arith.constant 104 : i32
      %add3A_242 = arith.addi %mul3A_240, %add3A_241 : i32
      %dma_start3A_243 = arith.constant 0 : i32
      %dma_start3A_244 = tpu.memref_slice %arg5[%add3A_242, %dma_start3A_243] : memref<819200x128xf32, #tpu.memory_space<hbm>> -> memref<96x128xf32, #tpu.memory_space<hbm>>
      %dma_start3A_245 = arith.constant 0 : i32
      %dma_start3A_246 = tpu.memref_slice %arg5[%add3A_242, %dma_start3A_245] : memref<819200x128xf32, #tpu.memory_space<hbm>> -> memref<96x128xf32, #tpu.memory_space<hbm>>
      tpu.enqueue_dma source(%arg12 : memref<96x128xf32, #tpu.memory_space<vmem>>) target(%dma_start3A_246 : memref<96x128xf32, #tpu.memory_space<hbm>>) target_semaphore(%arg28 : memref<!tpu.dma_semaphore, #tpu.memory_space<semaphore_mem>>)
      %gt3A_247 = arith.constant 0 : i32
      %gt3A_248 = arith.cmpi sgt, %scan3A_126, %gt3A_247 : i32
      %convert_element_type3A_249 = arith.extui %gt3A_248 : i1 to i32
      %cond3A_250 = arith.constant 0 : i32
      %cond3A_251 = arith.cmpi ne, %convert_element_type3A_249, %cond3A_250 : i32
      scf.if %cond3A_251 {
        %sub3A = arith.constant 1 : i32
        %sub3A_365 = arith.subi %scan3A_126, %sub3A : i32
        %mul3A_366 = arith.constant 4 : i32
        %mul3A_367 = arith.muli %mul3A_366, %sub3A_365 : i32
        %add3A_368 = arith.addi %mul3A_2, %mul3A_367 : i32
        %add3A_369 = arith.constant 3 : i32
        %add3A_370 = arith.addi %add3A_368, %add3A_369 : i32
        %mul3A_371 = arith.constant 200 : i32
        %mul3A_372 = arith.muli %add3A_370, %mul3A_371 : i32
        %add3A_373 = arith.constant 104 : i32
        %add3A_374 = arith.addi %mul3A_372, %add3A_373 : i32
        %dma_wait3A_375 = arith.constant 0 : i32
        %dma_wait3A_376 = tpu.memref_slice %arg5[%add3A_374, %dma_wait3A_375] : memref<819200x128xf32, #tpu.memory_space<hbm>> -> memref<96x128xf32, #tpu.memory_space<hbm>>
        %dma_wait3A_377 = arith.constant 0 : i32
        %dma_wait3A_378 = tpu.memref_slice %arg5[%add3A_374, %dma_wait3A_377] : memref<819200x128xf32, #tpu.memory_space<hbm>> -> memref<96x128xf32, #tpu.memory_space<hbm>>
        tpu.wait_dma2 semaphore(%arg32 : memref<!tpu.dma_semaphore, #tpu.memory_space<semaphore_mem>>) src(%arg16 : memref<96x128xf32, #tpu.memory_space<vmem>>) dst(%dma_wait3A_378 : memref<96x128xf32, #tpu.memory_space<hbm>>)
      } else {
      }
      %dma_start3A_252 = arith.constant 304 : i32
      %dma_start3A_253 = tpu.memref_slice %arg8[%dma_start3A_252] : memref<400xi32, #tpu.memory_space<vmem>> -> memref<96xi32, #tpu.memory_space<vmem>>
      %dma_start3A_254 = arith.constant 0 : i32
      %dma_start3A_255 = arith.constant 0 : i32
      %dma_start3A_256 = tpu.memref_slice %arg3[%dma_start3A_254, %dma_start3A_255] : memref<1000000x128xf32, #tpu.memory_space<hbm>> -> memref<1000000x128xf32, #tpu.memory_space<hbm>>
      tpu.enqueue_indirect_dma source(%dma_start3A_256 : memref<1000000x128xf32, #tpu.memory_space<hbm>>) target(%arg16 : memref<96x128xf32, #tpu.memory_space<vmem>>) offsets(%dma_start3A_253 : memref<96xi32, #tpu.memory_space<vmem>>) semaphore(%arg24 : memref<!tpu.dma_semaphore, #tpu.memory_space<semaphore_mem>>)
      %lt3A = arith.constant 31 : i32
      %lt3A_257 = arith.cmpi slt, %scan3A_126, %lt3A : i32
      %convert_element_type3A_258 = arith.extui %lt3A_257 : i1 to i32
      %cond3A_259 = arith.constant 0 : i32
      %cond3A_260 = arith.cmpi ne, %convert_element_type3A_258, %cond3A_259 : i32
      scf.if %cond3A_260 {
        %mul3A_365 = arith.constant 2 : i32
        %mul3A_366 = arith.muli %mul3A_365, %scan3A_126 : i32
        %add3A_367 = arith.constant 2 : i32
        %add3A_368 = arith.addi %mul3A_366, %add3A_367 : i32
        %mul3A_369 = arith.constant 2 : i32
        %mul3A_370 = arith.muli %mul3A_369, %add3A_368 : i32
        %add3A_371 = arith.addi %mul3A_2, %mul3A_370 : i32
        %mul3A_372 = arith.constant 200 : i32
        %mul3A_373 = arith.muli %add3A_371, %mul3A_372 : i32
        "tpu.region"() ({
          %run_scoped3A = tpu.sem_alloc : memref<!tpu.dma_semaphore, #tpu.memory_space<semaphore_mem>>
          %dma_start3A_374 = tpu.memref_slice %arg2[%mul3A_373] : memref<819200xi32, #tpu.memory_space<hbm>> -> memref<400xi32, #tpu.memory_space<hbm>>
          %dma_start3A_375 = tpu.memref_slice %arg2[%mul3A_373] : memref<819200xi32, #tpu.memory_space<hbm>> -> memref<400xi32, #tpu.memory_space<hbm>>
          tpu.enqueue_dma source(%dma_start3A_375 : memref<400xi32, #tpu.memory_space<hbm>>) target(%arg7 : memref<400xi32, #tpu.memory_space<vmem>>) target_semaphore(%run_scoped3A : memref<!tpu.dma_semaphore, #tpu.memory_space<semaphore_mem>>)
          %dma_wait3A_376 = tpu.memref_slice %arg2[%mul3A_373] : memref<819200xi32, #tpu.memory_space<hbm>> -> memref<400xi32, #tpu.memory_space<hbm>>
          %dma_wait3A_377 = tpu.memref_slice %arg2[%mul3A_373] : memref<819200xi32, #tpu.memory_space<hbm>> -> memref<400xi32, #tpu.memory_space<hbm>>
          tpu.wait_dma2 semaphore(%run_scoped3A : memref<!tpu.dma_semaphore, #tpu.memory_space<semaphore_mem>>) src(%dma_wait3A_377 : memref<400xi32, #tpu.memory_space<hbm>>) dst(%arg7 : memref<400xi32, #tpu.memory_space<vmem>>)
          tpu.yield
        }) : () -> ()
      } else {
      }
      %lt3A_261 = arith.constant 31 : i32
      %lt3A_262 = arith.cmpi slt, %scan3A_126, %lt3A_261 : i32
      %convert_element_type3A_263 = arith.extui %lt3A_262 : i1 to i32
      %cond3A_264 = arith.constant 0 : i32
      %cond3A_265 = arith.cmpi ne, %convert_element_type3A_263, %cond3A_264 : i32
      scf.if %cond3A_265 {
        %mul3A_365 = arith.constant 4 : i32
        %mul3A_366 = arith.muli %mul3A_365, %scan3A_126 : i32
        %add3A_367 = arith.addi %mul3A_2, %mul3A_366 : i32
        %add3A_368 = arith.constant 0 : i32
        %add3A_369 = arith.addi %add3A_367, %add3A_368 : i32
        %mul3A_370 = arith.constant 200 : i32
        %mul3A_371 = arith.muli %add3A_369, %mul3A_370 : i32
        %add3A_372 = arith.constant 0 : i32
        %add3A_373 = arith.addi %mul3A_371, %add3A_372 : i32
        %dma_wait3A_374 = arith.constant 0 : i32
        %dma_wait3A_375 = tpu.memref_slice %arg5[%add3A_373, %dma_wait3A_374] : memref<819200x128xf32, #tpu.memory_space<hbm>> -> memref<104x128xf32, #tpu.memory_space<hbm>>
        %dma_wait3A_376 = arith.constant 0 : i32
        %dma_wait3A_377 = tpu.memref_slice %arg5[%add3A_373, %dma_wait3A_376] : memref<819200x128xf32, #tpu.memory_space<hbm>> -> memref<104x128xf32, #tpu.memory_space<hbm>>
        tpu.wait_dma2 semaphore(%arg25 : memref<!tpu.dma_semaphore, #tpu.memory_space<semaphore_mem>>) src(%arg9 : memref<104x128xf32, #tpu.memory_space<vmem>>) dst(%dma_wait3A_377 : memref<104x128xf32, #tpu.memory_space<hbm>>)
        %dma_start3A_378 = arith.constant 0 : i32
        %dma_start3A_379 = tpu.memref_slice %arg7[%dma_start3A_378] : memref<400xi32, #tpu.memory_space<vmem>> -> memref<104xi32, #tpu.memory_space<vmem>>
        %dma_start3A_380 = arith.constant 0 : i32
        %dma_start3A_381 = arith.constant 0 : i32
        %dma_start3A_382 = tpu.memref_slice %arg3[%dma_start3A_380, %dma_start3A_381] : memref<1000000x128xf32, #tpu.memory_space<hbm>> -> memref<1000000x128xf32, #tpu.memory_space<hbm>>
        tpu.enqueue_indirect_dma source(%dma_start3A_382 : memref<1000000x128xf32, #tpu.memory_space<hbm>>) target(%arg9 : memref<104x128xf32, #tpu.memory_space<vmem>>) offsets(%dma_start3A_379 : memref<104xi32, #tpu.memory_space<vmem>>) semaphore(%arg17 : memref<!tpu.dma_semaphore, #tpu.memory_space<semaphore_mem>>)
      } else {
      }
      %lt3A_266 = arith.constant 31 : i32
      %lt3A_267 = arith.cmpi slt, %scan3A_126, %lt3A_266 : i32
      %convert_element_type3A_268 = arith.extui %lt3A_267 : i1 to i32
      %cond3A_269 = arith.constant 0 : i32
      %cond3A_270 = arith.cmpi ne, %convert_element_type3A_268, %cond3A_269 : i32
      scf.if %cond3A_270 {
        %mul3A_365 = arith.constant 4 : i32
        %mul3A_366 = arith.muli %mul3A_365, %scan3A_126 : i32
        %add3A_367 = arith.addi %mul3A_2, %mul3A_366 : i32
        %add3A_368 = arith.constant 0 : i32
        %add3A_369 = arith.addi %add3A_367, %add3A_368 : i32
        %mul3A_370 = arith.constant 200 : i32
        %mul3A_371 = arith.muli %add3A_369, %mul3A_370 : i32
        %add3A_372 = arith.constant 104 : i32
        %add3A_373 = arith.addi %mul3A_371, %add3A_372 : i32
        %dma_wait3A_374 = arith.constant 0 : i32
        %dma_wait3A_375 = tpu.memref_slice %arg5[%add3A_373, %dma_wait3A_374] : memref<819200x128xf32, #tpu.memory_space<hbm>> -> memref<96x128xf32, #tpu.memory_space<hbm>>
        %dma_wait3A_376 = arith.constant 0 : i32
        %dma_wait3A_377 = tpu.memref_slice %arg5[%add3A_373, %dma_wait3A_376] : memref<819200x128xf32, #tpu.memory_space<hbm>> -> memref<96x128xf32, #tpu.memory_space<hbm>>
        tpu.wait_dma2 semaphore(%arg26 : memref<!tpu.dma_semaphore, #tpu.memory_space<semaphore_mem>>) src(%arg10 : memref<96x128xf32, #tpu.memory_space<vmem>>) dst(%dma_wait3A_377 : memref<96x128xf32, #tpu.memory_space<hbm>>)
        %dma_start3A_378 = arith.constant 104 : i32
        %dma_start3A_379 = tpu.memref_slice %arg7[%dma_start3A_378] : memref<400xi32, #tpu.memory_space<vmem>> -> memref<96xi32, #tpu.memory_space<vmem>>
        %dma_start3A_380 = arith.constant 0 : i32
        %dma_start3A_381 = arith.constant 0 : i32
        %dma_start3A_382 = tpu.memref_slice %arg3[%dma_start3A_380, %dma_start3A_381] : memref<1000000x128xf32, #tpu.memory_space<hbm>> -> memref<1000000x128xf32, #tpu.memory_space<hbm>>
        tpu.enqueue_indirect_dma source(%dma_start3A_382 : memref<1000000x128xf32, #tpu.memory_space<hbm>>) target(%arg10 : memref<96x128xf32, #tpu.memory_space<vmem>>) offsets(%dma_start3A_379 : memref<96xi32, #tpu.memory_space<vmem>>) semaphore(%arg18 : memref<!tpu.dma_semaphore, #tpu.memory_space<semaphore_mem>>)
      } else {
      }
      %dma_wait3A_271 = arith.constant 0 : i32
      %dma_wait3A_272 = tpu.memref_slice %arg7[%dma_wait3A_271] : memref<400xi32, #tpu.memory_space<vmem>> -> memref<104xi32, #tpu.memory_space<vmem>>
      %dma_wait3A_273 = arith.constant 0 : i32
      %dma_wait3A_274 = arith.constant 0 : i32
      %dma_wait3A_275 = tpu.memref_slice %arg3[%dma_wait3A_273, %dma_wait3A_274] : memref<1000000x128xf32, #tpu.memory_space<hbm>> -> memref<1000000x128xf32, #tpu.memory_space<hbm>>
      tpu.wait_indirect_dma semaphore(%arg21 : memref<!tpu.dma_semaphore, #tpu.memory_space<semaphore_mem>>) src(%dma_wait3A_275 : memref<1000000x128xf32, #tpu.memory_space<hbm>>) dst(%arg13 : memref<104x128xf32, #tpu.memory_space<vmem>>)
      %dma_wait3A_276 = arith.constant 0 : i32
      %dma_wait3A_277 = tpu.memref_slice %arg7[%dma_wait3A_276] : memref<400xi32, #tpu.memory_space<vmem>> -> memref<104xi32, #tpu.memory_space<vmem>>
      %dma_wait3A_278 = arith.constant 0 : i32
      %dma_wait3A_279 = arith.constant 0 : i32
      %dma_wait3A_280 = tpu.memref_slice %arg3[%dma_wait3A_278, %dma_wait3A_279] : memref<1000000x128xf32, #tpu.memory_space<hbm>> -> memref<1000000x128xf32, #tpu.memory_space<hbm>>
      tpu.wait_indirect_dma semaphore(%arg23 : memref<!tpu.dma_semaphore, #tpu.memory_space<semaphore_mem>>) src(%dma_wait3A_280 : memref<1000000x128xf32, #tpu.memory_space<hbm>>) dst(%arg15 : memref<104x128xf32, #tpu.memory_space<vmem>>)
      %scan3A_281 = arith.constant 0 : i32
      %scan3A_282 = arith.constant 0 : i32
      %scan3A_283 = arith.constant 104 : i32
      %scan3A_284 = arith.addi %scan3A_282, %scan3A_283 : i32
      %scan3A_285 = arith.constant 1 : i32
      scf.for %scan3A_365 = %scan3A_282 to %scan3A_284 step %scan3A_285  : i32 {
        %add3A_366 = arith.constant 0 : i32
        %add3A_367 = arith.addi %add3A_366, %scan3A_365 : i32
        %get3A = arith.index_cast %add3A_367 : i32 to index
        %get3A_368 = arith.constant 0 : index
        %get3A_369 = tpu.vector_load %arg6[%get3A, %get3A_368] {strides = array<i32>} : memref<200x128xf32, #tpu.memory_space<vmem>>, vector<1x16xf32>,
        %get3A_370 = vector.shape_cast %get3A_369 : vector<1x16xf32> to vector<16xf32>
        %get3A_371 = arith.index_cast %scan3A_365 : i32 to index
        %get3A_372 = arith.constant 0 : index
        %get3A_373 = tpu.vector_load %arg13[%get3A_371, %get3A_372] {strides = array<i32>} : memref<104x128xf32, #tpu.memory_space<vmem>>, vector<1x16xf32>,
        %get3A_374 = vector.shape_cast %get3A_373 : vector<1x16xf32> to vector<16xf32>
        %mul3A_375 = arith.constant 11.3137083 : f32
        %mul3A_376 = vector.broadcast %mul3A_375 : f32 to vector<16xf32>
        %mul3A_377 = arith.mulf %get3A_374, %mul3A_376 : vector<16xf32>
        %add3A_378 = arith.addf %mul3A_377, %get3A_370 : vector<16xf32>
        %swap3A = arith.index_cast %scan3A_365 : i32 to index
        %swap3A_379 = arith.constant 0 : index
        %swap3A_380 = tpu.vector_load %arg13[%swap3A, %swap3A_379] {strides = array<i32>} : memref<104x128xf32, #tpu.memory_space<vmem>>, vector<1x16xf32>,
        %swap3A_381 = vector.shape_cast %swap3A_380 : vector<1x16xf32> to vector<16xf32>
        %swap3A_382 = vector.shape_cast %add3A_378 : vector<16xf32> to vector<1x16xf32>
        tpu.vector_store %arg13[%swap3A, %swap3A_379], %swap3A_382 {strides = array<i32>} : memref<104x128xf32, #tpu.memory_space<vmem>>, vector<1x16xf32>,
        %get3A_383 = arith.index_cast %scan3A_365 : i32 to index
        %get3A_384 = arith.constant 0 : index
        %get3A_385 = tpu.vector_load %arg15[%get3A_383, %get3A_384] {strides = array<i32>} : memref<104x128xf32, #tpu.memory_space<vmem>>, vector<1x16xf32>,
        %get3A_386 = vector.shape_cast %get3A_385 : vector<1x16xf32> to vector<16xf32>
        %mul3A_387 = arith.constant 11.3137083 : f32
        %mul3A_388 = vector.broadcast %mul3A_387 : f32 to vector<16xf32>
        %mul3A_389 = arith.mulf %get3A_386, %mul3A_388 : vector<16xf32>
        %add3A_390 = arith.addf %mul3A_389, %get3A_370 : vector<16xf32>
        %swap3A_391 = arith.index_cast %scan3A_365 : i32 to index
        %swap3A_392 = arith.constant 0 : index
        %swap3A_393 = tpu.vector_load %arg15[%swap3A_391, %swap3A_392] {strides = array<i32>} : memref<104x128xf32, #tpu.memory_space<vmem>>, vector<1x16xf32>,
        %swap3A_394 = vector.shape_cast %swap3A_393 : vector<1x16xf32> to vector<16xf32>
        %swap3A_395 = vector.shape_cast %add3A_390 : vector<16xf32> to vector<1x16xf32>
        tpu.vector_store %arg15[%swap3A_391, %swap3A_392], %swap3A_395 {strides = array<i32>} : memref<104x128xf32, #tpu.memory_space<vmem>>, vector<1x16xf32>,
        %add3A_396 = arith.constant 0 : i32
        %add3A_397 = arith.addi %add3A_396, %scan3A_365 : i32
        %get3A_398 = arith.index_cast %add3A_397 : i32 to index
        %get3A_399 = arith.constant 16 : index
        %get3A_400 = tpu.vector_load %arg6[%get3A_398, %get3A_399] {strides = array<i32>} : memref<200x128xf32, #tpu.memory_space<vmem>>, vector<1x16xf32>,
        %get3A_401 = vector.shape_cast %get3A_400 : vector<1x16xf32> to vector<16xf32>
        %get3A_402 = arith.index_cast %scan3A_365 : i32 to index
        %get3A_403 = arith.constant 16 : index
        %get3A_404 = tpu.vector_load %arg13[%get3A_402, %get3A_403] {strides = array<i32>} : memref<104x128xf32, #tpu.memory_space<vmem>>, vector<1x16xf32>,
        %get3A_405 = vector.shape_cast %get3A_404 : vector<1x16xf32> to vector<16xf32>
        %mul3A_406 = arith.constant 11.3137083 : f32
        %mul3A_407 = vector.broadcast %mul3A_406 : f32 to vector<16xf32>
        %mul3A_408 = arith.mulf %get3A_405, %mul3A_407 : vector<16xf32>
        %add3A_409 = arith.addf %mul3A_408, %get3A_401 : vector<16xf32>
        %swap3A_410 = arith.index_cast %scan3A_365 : i32 to index
        %swap3A_411 = arith.constant 16 : index
        %swap3A_412 = tpu.vector_load %arg13[%swap3A_410, %swap3A_411] {strides = array<i32>} : memref<104x128xf32, #tpu.memory_space<vmem>>, vector<1x16xf32>,
        %swap3A_413 = vector.shape_cast %swap3A_412 : vector<1x16xf32> to vector<16xf32>
        %swap3A_414 = vector.shape_cast %add3A_409 : vector<16xf32> to vector<1x16xf32>
        tpu.vector_store %arg13[%swap3A_410, %swap3A_411], %swap3A_414 {strides = array<i32>} : memref<104x128xf32, #tpu.memory_space<vmem>>, vector<1x16xf32>,
        %get3A_415 = arith.index_cast %scan3A_365 : i32 to index
        %get3A_416 = arith.constant 16 : index
        %get3A_417 = tpu.vector_load %arg15[%get3A_415, %get3A_416] {strides = array<i32>} : memref<104x128xf32, #tpu.memory_space<vmem>>, vector<1x16xf32>,
        %get3A_418 = vector.shape_cast %get3A_417 : vector<1x16xf32> to vector<16xf32>
        %mul3A_419 = arith.constant 11.3137083 : f32
        %mul3A_420 = vector.broadcast %mul3A_419 : f32 to vector<16xf32>
        %mul3A_421 = arith.mulf %get3A_418, %mul3A_420 : vector<16xf32>
        %add3A_422 = arith.addf %mul3A_421, %get3A_401 : vector<16xf32>
        %swap3A_423 = arith.index_cast %scan3A_365 : i32 to index
        %swap3A_424 = arith.constant 16 : index
        %swap3A_425 = tpu.vector_load %arg15[%swap3A_423, %swap3A_424] {strides = array<i32>} : memref<104x128xf32, #tpu.memory_space<vmem>>, vector<1x16xf32>,
        %swap3A_426 = vector.shape_cast %swap3A_425 : vector<1x16xf32> to vector<16xf32>
        %swap3A_427 = vector.shape_cast %add3A_422 : vector<16xf32> to vector<1x16xf32>
        tpu.vector_store %arg15[%swap3A_423, %swap3A_424], %swap3A_427 {strides = array<i32>} : memref<104x128xf32, #tpu.memory_space<vmem>>, vector<1x16xf32>,
        %add3A_428 = arith.constant 0 : i32
        %add3A_429 = arith.addi %add3A_428, %scan3A_365 : i32
        %get3A_430 = arith.index_cast %add3A_429 : i32 to index
        %get3A_431 = arith.constant 32 : index
        %get3A_432 = tpu.vector_load %arg6[%get3A_430, %get3A_431] {strides = array<i32>} : memref<200x128xf32, #tpu.memory_space<vmem>>, vector<1x16xf32>,
        %get3A_433 = vector.shape_cast %get3A_432 : vector<1x16xf32> to vector<16xf32>
        %get3A_434 = arith.index_cast %scan3A_365 : i32 to index
        %get3A_435 = arith.constant 32 : index
        %get3A_436 = tpu.vector_load %arg13[%get3A_434, %get3A_435] {strides = array<i32>} : memref<104x128xf32, #tpu.memory_space<vmem>>, vector<1x16xf32>,
        %get3A_437 = vector.shape_cast %get3A_436 : vector<1x16xf32> to vector<16xf32>
        %mul3A_438 = arith.constant 11.3137083 : f32
        %mul3A_439 = vector.broadcast %mul3A_438 : f32 to vector<16xf32>
        %mul3A_440 = arith.mulf %get3A_437, %mul3A_439 : vector<16xf32>
        %add3A_441 = arith.addf %mul3A_440, %get3A_433 : vector<16xf32>
        %swap3A_442 = arith.index_cast %scan3A_365 : i32 to index
        %swap3A_443 = arith.constant 32 : index
        %swap3A_444 = tpu.vector_load %arg13[%swap3A_442, %swap3A_443] {strides = array<i32>} : memref<104x128xf32, #tpu.memory_space<vmem>>, vector<1x16xf32>,
        %swap3A_445 = vector.shape_cast %swap3A_444 : vector<1x16xf32> to vector<16xf32>
        %swap3A_446 = vector.shape_cast %add3A_441 : vector<16xf32> to vector<1x16xf32>
        tpu.vector_store %arg13[%swap3A_442, %swap3A_443], %swap3A_446 {strides = array<i32>} : memref<104x128xf32, #tpu.memory_space<vmem>>, vector<1x16xf32>,
        %get3A_447 = arith.index_cast %scan3A_365 : i32 to index
        %get3A_448 = arith.constant 32 : index
        %get3A_449 = tpu.vector_load %arg15[%get3A_447, %get3A_448] {strides = array<i32>} : memref<104x128xf32, #tpu.memory_space<vmem>>, vector<1x16xf32>,
        %get3A_450 = vector.shape_cast %get3A_449 : vector<1x16xf32> to vector<16xf32>
        %mul3A_451 = arith.constant 11.3137083 : f32
        %mul3A_452 = vector.broadcast %mul3A_451 : f32 to vector<16xf32>
        %mul3A_453 = arith.mulf %get3A_450, %mul3A_452 : vector<16xf32>
        %add3A_454 = arith.addf %mul3A_453, %get3A_433 : vector<16xf32>
        %swap3A_455 = arith.index_cast %scan3A_365 : i32 to index
        %swap3A_456 = arith.constant 32 : index
        %swap3A_457 = tpu.vector_load %arg15[%swap3A_455, %swap3A_456] {strides = array<i32>} : memref<104x128xf32, #tpu.memory_space<vmem>>, vector<1x16xf32>,
        %swap3A_458 = vector.shape_cast %swap3A_457 : vector<1x16xf32> to vector<16xf32>
        %swap3A_459 = vector.shape_cast %add3A_454 : vector<16xf32> to vector<1x16xf32>
        tpu.vector_store %arg15[%swap3A_455, %swap3A_456], %swap3A_459 {strides = array<i32>} : memref<104x128xf32, #tpu.memory_space<vmem>>, vector<1x16xf32>,
        %add3A_460 = arith.constant 0 : i32
        %add3A_461 = arith.addi %add3A_460, %scan3A_365 : i32
        %get3A_462 = arith.index_cast %add3A_461 : i32 to index
        %get3A_463 = arith.constant 48 : index
        %get3A_464 = tpu.vector_load %arg6[%get3A_462, %get3A_463] {strides = array<i32>} : memref<200x128xf32, #tpu.memory_space<vmem>>, vector<1x16xf32>,
        %get3A_465 = vector.shape_cast %get3A_464 : vector<1x16xf32> to vector<16xf32>
        %get3A_466 = arith.index_cast %scan3A_365 : i32 to index
        %get3A_467 = arith.constant 48 : index
        %get3A_468 = tpu.vector_load %arg13[%get3A_466, %get3A_467] {strides = array<i32>} : memref<104x128xf32, #tpu.memory_space<vmem>>, vector<1x16xf32>,
        %get3A_469 = vector.shape_cast %get3A_468 : vector<1x16xf32> to vector<16xf32>
        %mul3A_470 = arith.constant 11.3137083 : f32
        %mul3A_471 = vector.broadcast %mul3A_470 : f32 to vector<16xf32>
        %mul3A_472 = arith.mulf %get3A_469, %mul3A_471 : vector<16xf32>
        %add3A_473 = arith.addf %mul3A_472, %get3A_465 : vector<16xf32>
        %swap3A_474 = arith.index_cast %scan3A_365 : i32 to index
        %swap3A_475 = arith.constant 48 : index
        %swap3A_476 = tpu.vector_load %arg13[%swap3A_474, %swap3A_475] {strides = array<i32>} : memref<104x128xf32, #tpu.memory_space<vmem>>, vector<1x16xf32>,
        %swap3A_477 = vector.shape_cast %swap3A_476 : vector<1x16xf32> to vector<16xf32>
        %swap3A_478 = vector.shape_cast %add3A_473 : vector<16xf32> to vector<1x16xf32>
        tpu.vector_store %arg13[%swap3A_474, %swap3A_475], %swap3A_478 {strides = array<i32>} : memref<104x128xf32, #tpu.memory_space<vmem>>, vector<1x16xf32>,
        %get3A_479 = arith.index_cast %scan3A_365 : i32 to index
        %get3A_480 = arith.constant 48 : index
        %get3A_481 = tpu.vector_load %arg15[%get3A_479, %get3A_480] {strides = array<i32>} : memref<104x128xf32, #tpu.memory_space<vmem>>, vector<1x16xf32>,
        %get3A_482 = vector.shape_cast %get3A_481 : vector<1x16xf32> to vector<16xf32>
        %mul3A_483 = arith.constant 11.3137083 : f32
        %mul3A_484 = vector.broadcast %mul3A_483 : f32 to vector<16xf32>
        %mul3A_485 = arith.mulf %get3A_482, %mul3A_484 : vector<16xf32>
        %add3A_486 = arith.addf %mul3A_485, %get3A_465 : vector<16xf32>
        %swap3A_487 = arith.index_cast %scan3A_365 : i32 to index
        %swap3A_488 = arith.constant 48 : index
        %swap3A_489 = tpu.vector_load %arg15[%swap3A_487, %swap3A_488] {strides = array<i32>} : memref<104x128xf32, #tpu.memory_space<vmem>>, vector<1x16xf32>,
        %swap3A_490 = vector.shape_cast %swap3A_489 : vector<1x16xf32> to vector<16xf32>
        %swap3A_491 = vector.shape_cast %add3A_486 : vector<16xf32> to vector<1x16xf32>
        tpu.vector_store %arg15[%swap3A_487, %swap3A_488], %swap3A_491 {strides = array<i32>} : memref<104x128xf32, #tpu.memory_space<vmem>>, vector<1x16xf32>,
        %add3A_492 = arith.constant 0 : i32
        %add3A_493 = arith.addi %add3A_492, %scan3A_365 : i32
        %get3A_494 = arith.index_cast %add3A_493 : i32 to index
        %get3A_495 = arith.constant 64 : index
        %get3A_496 = tpu.vector_load %arg6[%get3A_494, %get3A_495] {strides = array<i32>} : memref<200x128xf32, #tpu.memory_space<vmem>>, vector<1x16xf32>,
        %get3A_497 = vector.shape_cast %get3A_496 : vector<1x16xf32> to vector<16xf32>
        %get3A_498 = arith.index_cast %scan3A_365 : i32 to index
        %get3A_499 = arith.constant 64 : index
        %get3A_500 = tpu.vector_load %arg13[%get3A_498, %get3A_499] {strides = array<i32>} : memref<104x128xf32, #tpu.memory_space<vmem>>, vector<1x16xf32>,
        %get3A_501 = vector.shape_cast %get3A_500 : vector<1x16xf32> to vector<16xf32>
        %mul3A_502 = arith.constant 11.3137083 : f32
        %mul3A_503 = vector.broadcast %mul3A_502 : f32 to vector<16xf32>
        %mul3A_504 = arith.mulf %get3A_501, %mul3A_503 : vector<16xf32>
        %add3A_505 = arith.addf %mul3A_504, %get3A_497 : vector<16xf32>
        %swap3A_506 = arith.index_cast %scan3A_365 : i32 to index
        %swap3A_507 = arith.constant 64 : index
        %swap3A_508 = tpu.vector_load %arg13[%swap3A_506, %swap3A_507] {strides = array<i32>} : memref<104x128xf32, #tpu.memory_space<vmem>>, vector<1x16xf32>,
        %swap3A_509 = vector.shape_cast %swap3A_508 : vector<1x16xf32> to vector<16xf32>
        %swap3A_510 = vector.shape_cast %add3A_505 : vector<16xf32> to vector<1x16xf32>
        tpu.vector_store %arg13[%swap3A_506, %swap3A_507], %swap3A_510 {strides = array<i32>} : memref<104x128xf32, #tpu.memory_space<vmem>>, vector<1x16xf32>,
        %get3A_511 = arith.index_cast %scan3A_365 : i32 to index
        %get3A_512 = arith.constant 64 : index
        %get3A_513 = tpu.vector_load %arg15[%get3A_511, %get3A_512] {strides = array<i32>} : memref<104x128xf32, #tpu.memory_space<vmem>>, vector<1x16xf32>,
        %get3A_514 = vector.shape_cast %get3A_513 : vector<1x16xf32> to vector<16xf32>
        %mul3A_515 = arith.constant 11.3137083 : f32
        %mul3A_516 = vector.broadcast %mul3A_515 : f32 to vector<16xf32>
        %mul3A_517 = arith.mulf %get3A_514, %mul3A_516 : vector<16xf32>
        %add3A_518 = arith.addf %mul3A_517, %get3A_497 : vector<16xf32>
        %swap3A_519 = arith.index_cast %scan3A_365 : i32 to index
        %swap3A_520 = arith.constant 64 : index
        %swap3A_521 = tpu.vector_load %arg15[%swap3A_519, %swap3A_520] {strides = array<i32>} : memref<104x128xf32, #tpu.memory_space<vmem>>, vector<1x16xf32>,
        %swap3A_522 = vector.shape_cast %swap3A_521 : vector<1x16xf32> to vector<16xf32>
        %swap3A_523 = vector.shape_cast %add3A_518 : vector<16xf32> to vector<1x16xf32>
        tpu.vector_store %arg15[%swap3A_519, %swap3A_520], %swap3A_523 {strides = array<i32>} : memref<104x128xf32, #tpu.memory_space<vmem>>, vector<1x16xf32>,
        %add3A_524 = arith.constant 0 : i32
        %add3A_525 = arith.addi %add3A_524, %scan3A_365 : i32
        %get3A_526 = arith.index_cast %add3A_525 : i32 to index
        %get3A_527 = arith.constant 80 : index
        %get3A_528 = tpu.vector_load %arg6[%get3A_526, %get3A_527] {strides = array<i32>} : memref<200x128xf32, #tpu.memory_space<vmem>>, vector<1x16xf32>,
        %get3A_529 = vector.shape_cast %get3A_528 : vector<1x16xf32> to vector<16xf32>
        %get3A_530 = arith.index_cast %scan3A_365 : i32 to index
        %get3A_531 = arith.constant 80 : index
        %get3A_532 = tpu.vector_load %arg13[%get3A_530, %get3A_531] {strides = array<i32>} : memref<104x128xf32, #tpu.memory_space<vmem>>, vector<1x16xf32>,
        %get3A_533 = vector.shape_cast %get3A_532 : vector<1x16xf32> to vector<16xf32>
        %mul3A_534 = arith.constant 11.3137083 : f32
        %mul3A_535 = vector.broadcast %mul3A_534 : f32 to vector<16xf32>
        %mul3A_536 = arith.mulf %get3A_533, %mul3A_535 : vector<16xf32>
        %add3A_537 = arith.addf %mul3A_536, %get3A_529 : vector<16xf32>
        %swap3A_538 = arith.index_cast %scan3A_365 : i32 to index
        %swap3A_539 = arith.constant 80 : index
        %swap3A_540 = tpu.vector_load %arg13[%swap3A_538, %swap3A_539] {strides = array<i32>} : memref<104x128xf32, #tpu.memory_space<vmem>>, vector<1x16xf32>,
        %swap3A_541 = vector.shape_cast %swap3A_540 : vector<1x16xf32> to vector<16xf32>
        %swap3A_542 = vector.shape_cast %add3A_537 : vector<16xf32> to vector<1x16xf32>
        tpu.vector_store %arg13[%swap3A_538, %swap3A_539], %swap3A_542 {strides = array<i32>} : memref<104x128xf32, #tpu.memory_space<vmem>>, vector<1x16xf32>,
        %get3A_543 = arith.index_cast %scan3A_365 : i32 to index
        %get3A_544 = arith.constant 80 : index
        %get3A_545 = tpu.vector_load %arg15[%get3A_543, %get3A_544] {strides = array<i32>} : memref<104x128xf32, #tpu.memory_space<vmem>>, vector<1x16xf32>,
        %get3A_546 = vector.shape_cast %get3A_545 : vector<1x16xf32> to vector<16xf32>
        %mul3A_547 = arith.constant 11.3137083 : f32
        %mul3A_548 = vector.broadcast %mul3A_547 : f32 to vector<16xf32>
        %mul3A_549 = arith.mulf %get3A_546, %mul3A_548 : vector<16xf32>
        %add3A_550 = arith.addf %mul3A_549, %get3A_529 : vector<16xf32>
        %swap3A_551 = arith.index_cast %scan3A_365 : i32 to index
        %swap3A_552 = arith.constant 80 : index
        %swap3A_553 = tpu.vector_load %arg15[%swap3A_551, %swap3A_552] {strides = array<i32>} : memref<104x128xf32, #tpu.memory_space<vmem>>, vector<1x16xf32>,
        %swap3A_554 = vector.shape_cast %swap3A_553 : vector<1x16xf32> to vector<16xf32>
        %swap3A_555 = vector.shape_cast %add3A_550 : vector<16xf32> to vector<1x16xf32>
        tpu.vector_store %arg15[%swap3A_551, %swap3A_552], %swap3A_555 {strides = array<i32>} : memref<104x128xf32, #tpu.memory_space<vmem>>, vector<1x16xf32>,
        %add3A_556 = arith.constant 0 : i32
        %add3A_557 = arith.addi %add3A_556, %scan3A_365 : i32
        %get3A_558 = arith.index_cast %add3A_557 : i32 to index
        %get3A_559 = arith.constant 96 : index
        %get3A_560 = tpu.vector_load %arg6[%get3A_558, %get3A_559] {strides = array<i32>} : memref<200x128xf32, #tpu.memory_space<vmem>>, vector<1x16xf32>,
        %get3A_561 = vector.shape_cast %get3A_560 : vector<1x16xf32> to vector<16xf32>
        %get3A_562 = arith.index_cast %scan3A_365 : i32 to index
        %get3A_563 = arith.constant 96 : index
        %get3A_564 = tpu.vector_load %arg13[%get3A_562, %get3A_563] {strides = array<i32>} : memref<104x128xf32, #tpu.memory_space<vmem>>, vector<1x16xf32>,
        %get3A_565 = vector.shape_cast %get3A_564 : vector<1x16xf32> to vector<16xf32>
        %mul3A_566 = arith.constant 11.3137083 : f32
        %mul3A_567 = vector.broadcast %mul3A_566 : f32 to vector<16xf32>
        %mul3A_568 = arith.mulf %get3A_565, %mul3A_567 : vector<16xf32>
        %add3A_569 = arith.addf %mul3A_568, %get3A_561 : vector<16xf32>
        %swap3A_570 = arith.index_cast %scan3A_365 : i32 to index
        %swap3A_571 = arith.constant 96 : index
        %swap3A_572 = tpu.vector_load %arg13[%swap3A_570, %swap3A_571] {strides = array<i32>} : memref<104x128xf32, #tpu.memory_space<vmem>>, vector<1x16xf32>,
        %swap3A_573 = vector.shape_cast %swap3A_572 : vector<1x16xf32> to vector<16xf32>
        %swap3A_574 = vector.shape_cast %add3A_569 : vector<16xf32> to vector<1x16xf32>
        tpu.vector_store %arg13[%swap3A_570, %swap3A_571], %swap3A_574 {strides = array<i32>} : memref<104x128xf32, #tpu.memory_space<vmem>>, vector<1x16xf32>,
        %get3A_575 = arith.index_cast %scan3A_365 : i32 to index
        %get3A_576 = arith.constant 96 : index
        %get3A_577 = tpu.vector_load %arg15[%get3A_575, %get3A_576] {strides = array<i32>} : memref<104x128xf32, #tpu.memory_space<vmem>>, vector<1x16xf32>,
        %get3A_578 = vector.shape_cast %get3A_577 : vector<1x16xf32> to vector<16xf32>
        %mul3A_579 = arith.constant 11.3137083 : f32
        %mul3A_580 = vector.broadcast %mul3A_579 : f32 to vector<16xf32>
        %mul3A_581 = arith.mulf %get3A_578, %mul3A_580 : vector<16xf32>
        %add3A_582 = arith.addf %mul3A_581, %get3A_561 : vector<16xf32>
        %swap3A_583 = arith.index_cast %scan3A_365 : i32 to index
        %swap3A_584 = arith.constant 96 : index
        %swap3A_585 = tpu.vector_load %arg15[%swap3A_583, %swap3A_584] {strides = array<i32>} : memref<104x128xf32, #tpu.memory_space<vmem>>, vector<1x16xf32>,
        %swap3A_586 = vector.shape_cast %swap3A_585 : vector<1x16xf32> to vector<16xf32>
        %swap3A_587 = vector.shape_cast %add3A_582 : vector<16xf32> to vector<1x16xf32>
        tpu.vector_store %arg15[%swap3A_583, %swap3A_584], %swap3A_587 {strides = array<i32>} : memref<104x128xf32, #tpu.memory_space<vmem>>, vector<1x16xf32>,
        %add3A_588 = arith.constant 0 : i32
        %add3A_589 = arith.addi %add3A_588, %scan3A_365 : i32
        %get3A_590 = arith.index_cast %add3A_589 : i32 to index
        %get3A_591 = arith.constant 112 : index
        %get3A_592 = tpu.vector_load %arg6[%get3A_590, %get3A_591] {strides = array<i32>} : memref<200x128xf32, #tpu.memory_space<vmem>>, vector<1x16xf32>,
        %get3A_593 = vector.shape_cast %get3A_592 : vector<1x16xf32> to vector<16xf32>
        %get3A_594 = arith.index_cast %scan3A_365 : i32 to index
        %get3A_595 = arith.constant 112 : index
        %get3A_596 = tpu.vector_load %arg13[%get3A_594, %get3A_595] {strides = array<i32>} : memref<104x128xf32, #tpu.memory_space<vmem>>, vector<1x16xf32>,
        %get3A_597 = vector.shape_cast %get3A_596 : vector<1x16xf32> to vector<16xf32>
        %mul3A_598 = arith.constant 11.3137083 : f32
        %mul3A_599 = vector.broadcast %mul3A_598 : f32 to vector<16xf32>
        %mul3A_600 = arith.mulf %get3A_597, %mul3A_599 : vector<16xf32>
        %add3A_601 = arith.addf %mul3A_600, %get3A_593 : vector<16xf32>
        %swap3A_602 = arith.index_cast %scan3A_365 : i32 to index
        %swap3A_603 = arith.constant 112 : index
        %swap3A_604 = tpu.vector_load %arg13[%swap3A_602, %swap3A_603] {strides = array<i32>} : memref<104x128xf32, #tpu.memory_space<vmem>>, vector<1x16xf32>,
        %swap3A_605 = vector.shape_cast %swap3A_604 : vector<1x16xf32> to vector<16xf32>
        %swap3A_606 = vector.shape_cast %add3A_601 : vector<16xf32> to vector<1x16xf32>
        tpu.vector_store %arg13[%swap3A_602, %swap3A_603], %swap3A_606 {strides = array<i32>} : memref<104x128xf32, #tpu.memory_space<vmem>>, vector<1x16xf32>,
        %get3A_607 = arith.index_cast %scan3A_365 : i32 to index
        %get3A_608 = arith.constant 112 : index
        %get3A_609 = tpu.vector_load %arg15[%get3A_607, %get3A_608] {strides = array<i32>} : memref<104x128xf32, #tpu.memory_space<vmem>>, vector<1x16xf32>,
        %get3A_610 = vector.shape_cast %get3A_609 : vector<1x16xf32> to vector<16xf32>
        %mul3A_611 = arith.constant 11.3137083 : f32
        %mul3A_612 = vector.broadcast %mul3A_611 : f32 to vector<16xf32>
        %mul3A_613 = arith.mulf %get3A_610, %mul3A_612 : vector<16xf32>
        %add3A_614 = arith.addf %mul3A_613, %get3A_593 : vector<16xf32>
        %swap3A_615 = arith.index_cast %scan3A_365 : i32 to index
        %swap3A_616 = arith.constant 112 : index
        %swap3A_617 = tpu.vector_load %arg15[%swap3A_615, %swap3A_616] {strides = array<i32>} : memref<104x128xf32, #tpu.memory_space<vmem>>, vector<1x16xf32>,
        %swap3A_618 = vector.shape_cast %swap3A_617 : vector<1x16xf32> to vector<16xf32>
        %swap3A_619 = vector.shape_cast %add3A_614 : vector<16xf32> to vector<1x16xf32>
        tpu.vector_store %arg15[%swap3A_615, %swap3A_616], %swap3A_619 {strides = array<i32>} : memref<104x128xf32, #tpu.memory_space<vmem>>, vector<1x16xf32>,
      }
      %scan3A_286 = arith.constant 104 : i32
      %mul3A_287 = arith.constant 4 : i32
      %mul3A_288 = arith.muli %mul3A_287, %scan3A_126 : i32
      %add3A_289 = arith.addi %mul3A_2, %mul3A_288 : i32
      %add3A_290 = arith.constant 2 : i32
      %add3A_291 = arith.addi %add3A_289, %add3A_290 : i32
      %mul3A_292 = arith.constant 200 : i32
      %mul3A_293 = arith.muli %add3A_291, %mul3A_292 : i32
      %add3A_294 = arith.constant 0 : i32
      %add3A_295 = arith.addi %mul3A_293, %add3A_294 : i32
      %dma_start3A_296 = arith.constant 0 : i32
      %dma_start3A_297 = tpu.memref_slice %arg5[%add3A_295, %dma_start3A_296] : memref<819200x128xf32, #tpu.memory_space<hbm>> -> memref<104x128xf32, #tpu.memory_space<hbm>>
      %dma_start3A_298 = arith.constant 0 : i32
      %dma_start3A_299 = tpu.memref_slice %arg5[%add3A_295, %dma_start3A_298] : memref<819200x128xf32, #tpu.memory_space<hbm>> -> memref<104x128xf32, #tpu.memory_space<hbm>>
      tpu.enqueue_dma source(%arg13 : memref<104x128xf32, #tpu.memory_space<vmem>>) target(%dma_start3A_299 : memref<104x128xf32, #tpu.memory_space<hbm>>) target_semaphore(%arg29 : memref<!tpu.dma_semaphore, #tpu.memory_space<semaphore_mem>>)
      %mul3A_300 = arith.constant 4 : i32
      %mul3A_301 = arith.muli %mul3A_300, %scan3A_126 : i32
      %add3A_302 = arith.addi %mul3A_2, %mul3A_301 : i32
      %add3A_303 = arith.constant 3 : i32
      %add3A_304 = arith.addi %add3A_302, %add3A_303 : i32
      %mul3A_305 = arith.constant 200 : i32
      %mul3A_306 = arith.muli %add3A_304, %mul3A_305 : i32
      %add3A_307 = arith.constant 0 : i32
      %add3A_308 = arith.addi %mul3A_306, %add3A_307 : i32
      %dma_start3A_309 = arith.constant 0 : i32
      %dma_start3A_310 = tpu.memref_slice %arg5[%add3A_308, %dma_start3A_309] : memref<819200x128xf32, #tpu.memory_space<hbm>> -> memref<104x128xf32, #tpu.memory_space<hbm>>
      %dma_start3A_311 = arith.constant 0 : i32
      %dma_start3A_312 = tpu.memref_slice %arg5[%add3A_308, %dma_start3A_311] : memref<819200x128xf32, #tpu.memory_space<hbm>> -> memref<104x128xf32, #tpu.memory_space<hbm>>
      tpu.enqueue_dma source(%arg15 : memref<104x128xf32, #tpu.memory_space<vmem>>) target(%dma_start3A_312 : memref<104x128xf32, #tpu.memory_space<hbm>>) target_semaphore(%arg31 : memref<!tpu.dma_semaphore, #tpu.memory_space<semaphore_mem>>)
      %lt3A_313 = arith.constant 31 : i32
      %lt3A_314 = arith.cmpi slt, %scan3A_126, %lt3A_313 : i32
      %convert_element_type3A_315 = arith.extui %lt3A_314 : i1 to i32
      %cond3A_316 = arith.constant 0 : i32
      %cond3A_317 = arith.cmpi ne, %convert_element_type3A_315, %cond3A_316 : i32
      scf.if %cond3A_317 {
        %mul3A_365 = arith.constant 4 : i32
        %mul3A_366 = arith.muli %mul3A_365, %scan3A_126 : i32
        %add3A_367 = arith.addi %mul3A_2, %mul3A_366 : i32
        %add3A_368 = arith.constant 1 : i32
        %add3A_369 = arith.addi %add3A_367, %add3A_368 : i32
        %mul3A_370 = arith.constant 200 : i32
        %mul3A_371 = arith.muli %add3A_369, %mul3A_370 : i32
        %add3A_372 = arith.constant 0 : i32
        %add3A_373 = arith.addi %mul3A_371, %add3A_372 : i32
        %dma_wait3A_374 = arith.constant 0 : i32
        %dma_wait3A_375 = tpu.memref_slice %arg5[%add3A_373, %dma_wait3A_374] : memref<819200x128xf32, #tpu.memory_space<hbm>> -> memref<104x128xf32, #tpu.memory_space<hbm>>
        %dma_wait3A_376 = arith.constant 0 : i32
        %dma_wait3A_377 = tpu.memref_slice %arg5[%add3A_373, %dma_wait3A_376] : memref<819200x128xf32, #tpu.memory_space<hbm>> -> memref<104x128xf32, #tpu.memory_space<hbm>>
        tpu.wait_dma2 semaphore(%arg27 : memref<!tpu.dma_semaphore, #tpu.memory_space<semaphore_mem>>) src(%arg11 : memref<104x128xf32, #tpu.memory_space<vmem>>) dst(%dma_wait3A_377 : memref<104x128xf32, #tpu.memory_space<hbm>>)
        %dma_start3A_378 = arith.constant 200 : i32
        %dma_start3A_379 = tpu.memref_slice %arg7[%dma_start3A_378] : memref<400xi32, #tpu.memory_space<vmem>> -> memref<104xi32, #tpu.memory_space<vmem>>
        %dma_start3A_380 = arith.constant 0 : i32
        %dma_start3A_381 = arith.constant 0 : i32
        %dma_start3A_382 = tpu.memref_slice %arg3[%dma_start3A_380, %dma_start3A_381] : memref<1000000x128xf32, #tpu.memory_space<hbm>> -> memref<1000000x128xf32, #tpu.memory_space<hbm>>
        tpu.enqueue_indirect_dma source(%dma_start3A_382 : memref<1000000x128xf32, #tpu.memory_space<hbm>>) target(%arg11 : memref<104x128xf32, #tpu.memory_space<vmem>>) offsets(%dma_start3A_379 : memref<104xi32, #tpu.memory_space<vmem>>) semaphore(%arg19 : memref<!tpu.dma_semaphore, #tpu.memory_space<semaphore_mem>>)
      } else {
      }
      %dma_wait3A_318 = arith.constant 0 : i32
      %dma_wait3A_319 = tpu.memref_slice %arg7[%dma_wait3A_318] : memref<400xi32, #tpu.memory_space<vmem>> -> memref<96xi32, #tpu.memory_space<vmem>>
      %dma_wait3A_320 = arith.constant 0 : i32
      %dma_wait3A_321 = arith.constant 0 : i32
      %dma_wait3A_322 = tpu.memref_slice %arg3[%dma_wait3A_320, %dma_wait3A_321] : memref<1000000x128xf32, #tpu.memory_space<hbm>> -> memref<1000000x128xf32, #tpu.memory_space<hbm>>
      tpu.wait_indirect_dma semaphore(%arg22 : memref<!tpu.dma_semaphore, #tpu.memory_space<semaphore_mem>>) src(%dma_wait3A_322 : memref<1000000x128xf32, #tpu.memory_space<hbm>>) dst(%arg14 : memref<96x128xf32, #tpu.memory_space<vmem>>)
      %dma_wait3A_323 = arith.constant 0 : i32
      %dma_wait3A_324 = tpu.memref_slice %arg7[%dma_wait3A_323] : memref<400xi32, #tpu.memory_space<vmem>> -> memref<96xi32, #tpu.memory_space<vmem>>
      %dma_wait3A_325 = arith.constant 0 : i32
      %dma_wait3A_326 = arith.constant 0 : i32
      %dma_wait3A_327 = tpu.memref_slice %arg3[%dma_wait3A_325, %dma_wait3A_326] : memref<1000000x128xf32, #tpu.memory_space<hbm>> -> memref<1000000x128xf32, #tpu.memory_space<hbm>>
      tpu.wait_indirect_dma semaphore(%arg24 : memref<!tpu.dma_semaphore, #tpu.memory_space<semaphore_mem>>) src(%dma_wait3A_327 : memref<1000000x128xf32, #tpu.memory_space<hbm>>) dst(%arg16 : memref<96x128xf32, #tpu.memory_space<vmem>>)
      %scan3A_328 = arith.constant 0 : i32
      %scan3A_329 = arith.constant 0 : i32
      %scan3A_330 = arith.constant 96 : i32
      %scan3A_331 = arith.addi %scan3A_329, %scan3A_330 : i32
      %scan3A_332 = arith.constant 1 : i32
      scf.for %scan3A_365 = %scan3A_329 to %scan3A_331 step %scan3A_332  : i32 {
        %add3A_366 = arith.constant 104 : i32
        %add3A_367 = arith.addi %add3A_366, %scan3A_365 : i32
        %get3A = arith.index_cast %add3A_367 : i32 to index
        %get3A_368 = arith.constant 0 : index
        %get3A_369 = tpu.vector_load %arg6[%get3A, %get3A_368] {strides = array<i32>} : memref<200x128xf32, #tpu.memory_space<vmem>>, vector<1x16xf32>,
        %get3A_370 = vector.shape_cast %get3A_369 : vector<1x16xf32> to vector<16xf32>
        %get3A_371 = arith.index_cast %scan3A_365 : i32 to index
        %get3A_372 = arith.constant 0 : index
        %get3A_373 = tpu.vector_load %arg14[%get3A_371, %get3A_372] {strides = array<i32>} : memref<96x128xf32, #tpu.memory_space<vmem>>, vector<1x16xf32>,
        %get3A_374 = vector.shape_cast %get3A_373 : vector<1x16xf32> to vector<16xf32>
        %mul3A_375 = arith.constant 11.3137083 : f32
        %mul3A_376 = vector.broadcast %mul3A_375 : f32 to vector<16xf32>
        %mul3A_377 = arith.mulf %get3A_374, %mul3A_376 : vector<16xf32>
        %add3A_378 = arith.addf %mul3A_377, %get3A_370 : vector<16xf32>
        %swap3A = arith.index_cast %scan3A_365 : i32 to index
        %swap3A_379 = arith.constant 0 : index
        %swap3A_380 = tpu.vector_load %arg14[%swap3A, %swap3A_379] {strides = array<i32>} : memref<96x128xf32, #tpu.memory_space<vmem>>, vector<1x16xf32>,
        %swap3A_381 = vector.shape_cast %swap3A_380 : vector<1x16xf32> to vector<16xf32>
        %swap3A_382 = vector.shape_cast %add3A_378 : vector<16xf32> to vector<1x16xf32>
        tpu.vector_store %arg14[%swap3A, %swap3A_379], %swap3A_382 {strides = array<i32>} : memref<96x128xf32, #tpu.memory_space<vmem>>, vector<1x16xf32>,
        %get3A_383 = arith.index_cast %scan3A_365 : i32 to index
        %get3A_384 = arith.constant 0 : index
        %get3A_385 = tpu.vector_load %arg16[%get3A_383, %get3A_384] {strides = array<i32>} : memref<96x128xf32, #tpu.memory_space<vmem>>, vector<1x16xf32>,
        %get3A_386 = vector.shape_cast %get3A_385 : vector<1x16xf32> to vector<16xf32>
        %mul3A_387 = arith.constant 11.3137083 : f32
        %mul3A_388 = vector.broadcast %mul3A_387 : f32 to vector<16xf32>
        %mul3A_389 = arith.mulf %get3A_386, %mul3A_388 : vector<16xf32>
        %add3A_390 = arith.addf %mul3A_389, %get3A_370 : vector<16xf32>
        %swap3A_391 = arith.index_cast %scan3A_365 : i32 to index
        %swap3A_392 = arith.constant 0 : index
        %swap3A_393 = tpu.vector_load %arg16[%swap3A_391, %swap3A_392] {strides = array<i32>} : memref<96x128xf32, #tpu.memory_space<vmem>>, vector<1x16xf32>,
        %swap3A_394 = vector.shape_cast %swap3A_393 : vector<1x16xf32> to vector<16xf32>
        %swap3A_395 = vector.shape_cast %add3A_390 : vector<16xf32> to vector<1x16xf32>
        tpu.vector_store %arg16[%swap3A_391, %swap3A_392], %swap3A_395 {strides = array<i32>} : memref<96x128xf32, #tpu.memory_space<vmem>>, vector<1x16xf32>,
        %add3A_396 = arith.constant 104 : i32
        %add3A_397 = arith.addi %add3A_396, %scan3A_365 : i32
        %get3A_398 = arith.index_cast %add3A_397 : i32 to index
        %get3A_399 = arith.constant 16 : index
        %get3A_400 = tpu.vector_load %arg6[%get3A_398, %get3A_399] {strides = array<i32>} : memref<200x128xf32, #tpu.memory_space<vmem>>, vector<1x16xf32>,
        %get3A_401 = vector.shape_cast %get3A_400 : vector<1x16xf32> to vector<16xf32>
        %get3A_402 = arith.index_cast %scan3A_365 : i32 to index
        %get3A_403 = arith.constant 16 : index
        %get3A_404 = tpu.vector_load %arg14[%get3A_402, %get3A_403] {strides = array<i32>} : memref<96x128xf32, #tpu.memory_space<vmem>>, vector<1x16xf32>,
        %get3A_405 = vector.shape_cast %get3A_404 : vector<1x16xf32> to vector<16xf32>
        %mul3A_406 = arith.constant 11.3137083 : f32
        %mul3A_407 = vector.broadcast %mul3A_406 : f32 to vector<16xf32>
        %mul3A_408 = arith.mulf %get3A_405, %mul3A_407 : vector<16xf32>
        %add3A_409 = arith.addf %mul3A_408, %get3A_401 : vector<16xf32>
        %swap3A_410 = arith.index_cast %scan3A_365 : i32 to index
        %swap3A_411 = arith.constant 16 : index
        %swap3A_412 = tpu.vector_load %arg14[%swap3A_410, %swap3A_411] {strides = array<i32>} : memref<96x128xf32, #tpu.memory_space<vmem>>, vector<1x16xf32>,
        %swap3A_413 = vector.shape_cast %swap3A_412 : vector<1x16xf32> to vector<16xf32>
        %swap3A_414 = vector.shape_cast %add3A_409 : vector<16xf32> to vector<1x16xf32>
        tpu.vector_store %arg14[%swap3A_410, %swap3A_411], %swap3A_414 {strides = array<i32>} : memref<96x128xf32, #tpu.memory_space<vmem>>, vector<1x16xf32>,
        %get3A_415 = arith.index_cast %scan3A_365 : i32 to index
        %get3A_416 = arith.constant 16 : index
        %get3A_417 = tpu.vector_load %arg16[%get3A_415, %get3A_416] {strides = array<i32>} : memref<96x128xf32, #tpu.memory_space<vmem>>, vector<1x16xf32>,
        %get3A_418 = vector.shape_cast %get3A_417 : vector<1x16xf32> to vector<16xf32>
        %mul3A_419 = arith.constant 11.3137083 : f32
        %mul3A_420 = vector.broadcast %mul3A_419 : f32 to vector<16xf32>
        %mul3A_421 = arith.mulf %get3A_418, %mul3A_420 : vector<16xf32>
        %add3A_422 = arith.addf %mul3A_421, %get3A_401 : vector<16xf32>
        %swap3A_423 = arith.index_cast %scan3A_365 : i32 to index
        %swap3A_424 = arith.constant 16 : index
        %swap3A_425 = tpu.vector_load %arg16[%swap3A_423, %swap3A_424] {strides = array<i32>} : memref<96x128xf32, #tpu.memory_space<vmem>>, vector<1x16xf32>,
        %swap3A_426 = vector.shape_cast %swap3A_425 : vector<1x16xf32> to vector<16xf32>
        %swap3A_427 = vector.shape_cast %add3A_422 : vector<16xf32> to vector<1x16xf32>
        tpu.vector_store %arg16[%swap3A_423, %swap3A_424], %swap3A_427 {strides = array<i32>} : memref<96x128xf32, #tpu.memory_space<vmem>>, vector<1x16xf32>,
        %add3A_428 = arith.constant 104 : i32
        %add3A_429 = arith.addi %add3A_428, %scan3A_365 : i32
        %get3A_430 = arith.index_cast %add3A_429 : i32 to index
        %get3A_431 = arith.constant 32 : index
        %get3A_432 = tpu.vector_load %arg6[%get3A_430, %get3A_431] {strides = array<i32>} : memref<200x128xf32, #tpu.memory_space<vmem>>, vector<1x16xf32>,
        %get3A_433 = vector.shape_cast %get3A_432 : vector<1x16xf32> to vector<16xf32>
        %get3A_434 = arith.index_cast %scan3A_365 : i32 to index
        %get3A_435 = arith.constant 32 : index
        %get3A_436 = tpu.vector_load %arg14[%get3A_434, %get3A_435] {strides = array<i32>} : memref<96x128xf32, #tpu.memory_space<vmem>>, vector<1x16xf32>,
        %get3A_437 = vector.shape_cast %get3A_436 : vector<1x16xf32> to vector<16xf32>
        %mul3A_438 = arith.constant 11.3137083 : f32
        %mul3A_439 = vector.broadcast %mul3A_438 : f32 to vector<16xf32>
        %mul3A_440 = arith.mulf %get3A_437, %mul3A_439 : vector<16xf32>
        %add3A_441 = arith.addf %mul3A_440, %get3A_433 : vector<16xf32>
        %swap3A_442 = arith.index_cast %scan3A_365 : i32 to index
        %swap3A_443 = arith.constant 32 : index
        %swap3A_444 = tpu.vector_load %arg14[%swap3A_442, %swap3A_443] {strides = array<i32>} : memref<96x128xf32, #tpu.memory_space<vmem>>, vector<1x16xf32>,
        %swap3A_445 = vector.shape_cast %swap3A_444 : vector<1x16xf32> to vector<16xf32>
        %swap3A_446 = vector.shape_cast %add3A_441 : vector<16xf32> to vector<1x16xf32>
        tpu.vector_store %arg14[%swap3A_442, %swap3A_443], %swap3A_446 {strides = array<i32>} : memref<96x128xf32, #tpu.memory_space<vmem>>, vector<1x16xf32>,
        %get3A_447 = arith.index_cast %scan3A_365 : i32 to index
        %get3A_448 = arith.constant 32 : index
        %get3A_449 = tpu.vector_load %arg16[%get3A_447, %get3A_448] {strides = array<i32>} : memref<96x128xf32, #tpu.memory_space<vmem>>, vector<1x16xf32>,
        %get3A_450 = vector.shape_cast %get3A_449 : vector<1x16xf32> to vector<16xf32>
        %mul3A_451 = arith.constant 11.3137083 : f32
        %mul3A_452 = vector.broadcast %mul3A_451 : f32 to vector<16xf32>
        %mul3A_453 = arith.mulf %get3A_450, %mul3A_452 : vector<16xf32>
        %add3A_454 = arith.addf %mul3A_453, %get3A_433 : vector<16xf32>
        %swap3A_455 = arith.index_cast %scan3A_365 : i32 to index
        %swap3A_456 = arith.constant 32 : index
        %swap3A_457 = tpu.vector_load %arg16[%swap3A_455, %swap3A_456] {strides = array<i32>} : memref<96x128xf32, #tpu.memory_space<vmem>>, vector<1x16xf32>,
        %swap3A_458 = vector.shape_cast %swap3A_457 : vector<1x16xf32> to vector<16xf32>
        %swap3A_459 = vector.shape_cast %add3A_454 : vector<16xf32> to vector<1x16xf32>
        tpu.vector_store %arg16[%swap3A_455, %swap3A_456], %swap3A_459 {strides = array<i32>} : memref<96x128xf32, #tpu.memory_space<vmem>>, vector<1x16xf32>,
        %add3A_460 = arith.constant 104 : i32
        %add3A_461 = arith.addi %add3A_460, %scan3A_365 : i32
        %get3A_462 = arith.index_cast %add3A_461 : i32 to index
        %get3A_463 = arith.constant 48 : index
        %get3A_464 = tpu.vector_load %arg6[%get3A_462, %get3A_463] {strides = array<i32>} : memref<200x128xf32, #tpu.memory_space<vmem>>, vector<1x16xf32>,
        %get3A_465 = vector.shape_cast %get3A_464 : vector<1x16xf32> to vector<16xf32>
        %get3A_466 = arith.index_cast %scan3A_365 : i32 to index
        %get3A_467 = arith.constant 48 : index
        %get3A_468 = tpu.vector_load %arg14[%get3A_466, %get3A_467] {strides = array<i32>} : memref<96x128xf32, #tpu.memory_space<vmem>>, vector<1x16xf32>,
        %get3A_469 = vector.shape_cast %get3A_468 : vector<1x16xf32> to vector<16xf32>
        %mul3A_470 = arith.constant 11.3137083 : f32
        %mul3A_471 = vector.broadcast %mul3A_470 : f32 to vector<16xf32>
        %mul3A_472 = arith.mulf %get3A_469, %mul3A_471 : vector<16xf32>
        %add3A_473 = arith.addf %mul3A_472, %get3A_465 : vector<16xf32>
        %swap3A_474 = arith.index_cast %scan3A_365 : i32 to index
        %swap3A_475 = arith.constant 48 : index
        %swap3A_476 = tpu.vector_load %arg14[%swap3A_474, %swap3A_475] {strides = array<i32>} : memref<96x128xf32, #tpu.memory_space<vmem>>, vector<1x16xf32>,
        %swap3A_477 = vector.shape_cast %swap3A_476 : vector<1x16xf32> to vector<16xf32>
        %swap3A_478 = vector.shape_cast %add3A_473 : vector<16xf32> to vector<1x16xf32>
        tpu.vector_store %arg14[%swap3A_474, %swap3A_475], %swap3A_478 {strides = array<i32>} : memref<96x128xf32, #tpu.memory_space<vmem>>, vector<1x16xf32>,
        %get3A_479 = arith.index_cast %scan3A_365 : i32 to index
        %get3A_480 = arith.constant 48 : index
        %get3A_481 = tpu.vector_load %arg16[%get3A_479, %get3A_480] {strides = array<i32>} : memref<96x128xf32, #tpu.memory_space<vmem>>, vector<1x16xf32>,
        %get3A_482 = vector.shape_cast %get3A_481 : vector<1x16xf32> to vector<16xf32>
        %mul3A_483 = arith.constant 11.3137083 : f32
        %mul3A_484 = vector.broadcast %mul3A_483 : f32 to vector<16xf32>
        %mul3A_485 = arith.mulf %get3A_482, %mul3A_484 : vector<16xf32>
        %add3A_486 = arith.addf %mul3A_485, %get3A_465 : vector<16xf32>
        %swap3A_487 = arith.index_cast %scan3A_365 : i32 to index
        %swap3A_488 = arith.constant 48 : index
        %swap3A_489 = tpu.vector_load %arg16[%swap3A_487, %swap3A_488] {strides = array<i32>} : memref<96x128xf32, #tpu.memory_space<vmem>>, vector<1x16xf32>,
        %swap3A_490 = vector.shape_cast %swap3A_489 : vector<1x16xf32> to vector<16xf32>
        %swap3A_491 = vector.shape_cast %add3A_486 : vector<16xf32> to vector<1x16xf32>
        tpu.vector_store %arg16[%swap3A_487, %swap3A_488], %swap3A_491 {strides = array<i32>} : memref<96x128xf32, #tpu.memory_space<vmem>>, vector<1x16xf32>,
        %add3A_492 = arith.constant 104 : i32
        %add3A_493 = arith.addi %add3A_492, %scan3A_365 : i32
        %get3A_494 = arith.index_cast %add3A_493 : i32 to index
        %get3A_495 = arith.constant 64 : index
        %get3A_496 = tpu.vector_load %arg6[%get3A_494, %get3A_495] {strides = array<i32>} : memref<200x128xf32, #tpu.memory_space<vmem>>, vector<1x16xf32>,
        %get3A_497 = vector.shape_cast %get3A_496 : vector<1x16xf32> to vector<16xf32>
        %get3A_498 = arith.index_cast %scan3A_365 : i32 to index
        %get3A_499 = arith.constant 64 : index
        %get3A_500 = tpu.vector_load %arg14[%get3A_498, %get3A_499] {strides = array<i32>} : memref<96x128xf32, #tpu.memory_space<vmem>>, vector<1x16xf32>,
        %get3A_501 = vector.shape_cast %get3A_500 : vector<1x16xf32> to vector<16xf32>
        %mul3A_502 = arith.constant 11.3137083 : f32
        %mul3A_503 = vector.broadcast %mul3A_502 : f32 to vector<16xf32>
        %mul3A_504 = arith.mulf %get3A_501, %mul3A_503 : vector<16xf32>
        %add3A_505 = arith.addf %mul3A_504, %get3A_497 : vector<16xf32>
        %swap3A_506 = arith.index_cast %scan3A_365 : i32 to index
        %swap3A_507 = arith.constant 64 : index
        %swap3A_508 = tpu.vector_load %arg14[%swap3A_506, %swap3A_507] {strides = array<i32>} : memref<96x128xf32, #tpu.memory_space<vmem>>, vector<1x16xf32>,
        %swap3A_509 = vector.shape_cast %swap3A_508 : vector<1x16xf32> to vector<16xf32>
        %swap3A_510 = vector.shape_cast %add3A_505 : vector<16xf32> to vector<1x16xf32>
        tpu.vector_store %arg14[%swap3A_506, %swap3A_507], %swap3A_510 {strides = array<i32>} : memref<96x128xf32, #tpu.memory_space<vmem>>, vector<1x16xf32>,
        %get3A_511 = arith.index_cast %scan3A_365 : i32 to index
        %get3A_512 = arith.constant 64 : index
        %get3A_513 = tpu.vector_load %arg16[%get3A_511, %get3A_512] {strides = array<i32>} : memref<96x128xf32, #tpu.memory_space<vmem>>, vector<1x16xf32>,
        %get3A_514 = vector.shape_cast %get3A_513 : vector<1x16xf32> to vector<16xf32>
        %mul3A_515 = arith.constant 11.3137083 : f32
        %mul3A_516 = vector.broadcast %mul3A_515 : f32 to vector<16xf32>
        %mul3A_517 = arith.mulf %get3A_514, %mul3A_516 : vector<16xf32>
        %add3A_518 = arith.addf %mul3A_517, %get3A_497 : vector<16xf32>
        %swap3A_519 = arith.index_cast %scan3A_365 : i32 to index
        %swap3A_520 = arith.constant 64 : index
        %swap3A_521 = tpu.vector_load %arg16[%swap3A_519, %swap3A_520] {strides = array<i32>} : memref<96x128xf32, #tpu.memory_space<vmem>>, vector<1x16xf32>,
        %swap3A_522 = vector.shape_cast %swap3A_521 : vector<1x16xf32> to vector<16xf32>
        %swap3A_523 = vector.shape_cast %add3A_518 : vector<16xf32> to vector<1x16xf32>
        tpu.vector_store %arg16[%swap3A_519, %swap3A_520], %swap3A_523 {strides = array<i32>} : memref<96x128xf32, #tpu.memory_space<vmem>>, vector<1x16xf32>,
        %add3A_524 = arith.constant 104 : i32
        %add3A_525 = arith.addi %add3A_524, %scan3A_365 : i32
        %get3A_526 = arith.index_cast %add3A_525 : i32 to index
        %get3A_527 = arith.constant 80 : index
        %get3A_528 = tpu.vector_load %arg6[%get3A_526, %get3A_527] {strides = array<i32>} : memref<200x128xf32, #tpu.memory_space<vmem>>, vector<1x16xf32>,
        %get3A_529 = vector.shape_cast %get3A_528 : vector<1x16xf32> to vector<16xf32>
        %get3A_530 = arith.index_cast %scan3A_365 : i32 to index
        %get3A_531 = arith.constant 80 : index
        %get3A_532 = tpu.vector_load %arg14[%get3A_530, %get3A_531] {strides = array<i32>} : memref<96x128xf32, #tpu.memory_space<vmem>>, vector<1x16xf32>,
        %get3A_533 = vector.shape_cast %get3A_532 : vector<1x16xf32> to vector<16xf32>
        %mul3A_534 = arith.constant 11.3137083 : f32
        %mul3A_535 = vector.broadcast %mul3A_534 : f32 to vector<16xf32>
        %mul3A_536 = arith.mulf %get3A_533, %mul3A_535 : vector<16xf32>
        %add3A_537 = arith.addf %mul3A_536, %get3A_529 : vector<16xf32>
        %swap3A_538 = arith.index_cast %scan3A_365 : i32 to index
        %swap3A_539 = arith.constant 80 : index
        %swap3A_540 = tpu.vector_load %arg14[%swap3A_538, %swap3A_539] {strides = array<i32>} : memref<96x128xf32, #tpu.memory_space<vmem>>, vector<1x16xf32>,
        %swap3A_541 = vector.shape_cast %swap3A_540 : vector<1x16xf32> to vector<16xf32>
        %swap3A_542 = vector.shape_cast %add3A_537 : vector<16xf32> to vector<1x16xf32>
        tpu.vector_store %arg14[%swap3A_538, %swap3A_539], %swap3A_542 {strides = array<i32>} : memref<96x128xf32, #tpu.memory_space<vmem>>, vector<1x16xf32>,
        %get3A_543 = arith.index_cast %scan3A_365 : i32 to index
        %get3A_544 = arith.constant 80 : index
        %get3A_545 = tpu.vector_load %arg16[%get3A_543, %get3A_544] {strides = array<i32>} : memref<96x128xf32, #tpu.memory_space<vmem>>, vector<1x16xf32>,
        %get3A_546 = vector.shape_cast %get3A_545 : vector<1x16xf32> to vector<16xf32>
        %mul3A_547 = arith.constant 11.3137083 : f32
        %mul3A_548 = vector.broadcast %mul3A_547 : f32 to vector<16xf32>
        %mul3A_549 = arith.mulf %get3A_546, %mul3A_548 : vector<16xf32>
        %add3A_550 = arith.addf %mul3A_549, %get3A_529 : vector<16xf32>
        %swap3A_551 = arith.index_cast %scan3A_365 : i32 to index
        %swap3A_552 = arith.constant 80 : index
        %swap3A_553 = tpu.vector_load %arg16[%swap3A_551, %swap3A_552] {strides = array<i32>} : memref<96x128xf32, #tpu.memory_space<vmem>>, vector<1x16xf32>,
        %swap3A_554 = vector.shape_cast %swap3A_553 : vector<1x16xf32> to vector<16xf32>
        %swap3A_555 = vector.shape_cast %add3A_550 : vector<16xf32> to vector<1x16xf32>
        tpu.vector_store %arg16[%swap3A_551, %swap3A_552], %swap3A_555 {strides = array<i32>} : memref<96x128xf32, #tpu.memory_space<vmem>>, vector<1x16xf32>,
        %add3A_556 = arith.constant 104 : i32
        %add3A_557 = arith.addi %add3A_556, %scan3A_365 : i32
        %get3A_558 = arith.index_cast %add3A_557 : i32 to index
        %get3A_559 = arith.constant 96 : index
        %get3A_560 = tpu.vector_load %arg6[%get3A_558, %get3A_559] {strides = array<i32>} : memref<200x128xf32, #tpu.memory_space<vmem>>, vector<1x16xf32>,
        %get3A_561 = vector.shape_cast %get3A_560 : vector<1x16xf32> to vector<16xf32>
        %get3A_562 = arith.index_cast %scan3A_365 : i32 to index
        %get3A_563 = arith.constant 96 : index
        %get3A_564 = tpu.vector_load %arg14[%get3A_562, %get3A_563] {strides = array<i32>} : memref<96x128xf32, #tpu.memory_space<vmem>>, vector<1x16xf32>,
        %get3A_565 = vector.shape_cast %get3A_564 : vector<1x16xf32> to vector<16xf32>
        %mul3A_566 = arith.constant 11.3137083 : f32
        %mul3A_567 = vector.broadcast %mul3A_566 : f32 to vector<16xf32>
        %mul3A_568 = arith.mulf %get3A_565, %mul3A_567 : vector<16xf32>
        %add3A_569 = arith.addf %mul3A_568, %get3A_561 : vector<16xf32>
        %swap3A_570 = arith.index_cast %scan3A_365 : i32 to index
        %swap3A_571 = arith.constant 96 : index
        %swap3A_572 = tpu.vector_load %arg14[%swap3A_570, %swap3A_571] {strides = array<i32>} : memref<96x128xf32, #tpu.memory_space<vmem>>, vector<1x16xf32>,
        %swap3A_573 = vector.shape_cast %swap3A_572 : vector<1x16xf32> to vector<16xf32>
        %swap3A_574 = vector.shape_cast %add3A_569 : vector<16xf32> to vector<1x16xf32>
        tpu.vector_store %arg14[%swap3A_570, %swap3A_571], %swap3A_574 {strides = array<i32>} : memref<96x128xf32, #tpu.memory_space<vmem>>, vector<1x16xf32>,
        %get3A_575 = arith.index_cast %scan3A_365 : i32 to index
        %get3A_576 = arith.constant 96 : index
        %get3A_577 = tpu.vector_load %arg16[%get3A_575, %get3A_576] {strides = array<i32>} : memref<96x128xf32, #tpu.memory_space<vmem>>, vector<1x16xf32>,
        %get3A_578 = vector.shape_cast %get3A_577 : vector<1x16xf32> to vector<16xf32>
        %mul3A_579 = arith.constant 11.3137083 : f32
        %mul3A_580 = vector.broadcast %mul3A_579 : f32 to vector<16xf32>
        %mul3A_581 = arith.mulf %get3A_578, %mul3A_580 : vector<16xf32>
        %add3A_582 = arith.addf %mul3A_581, %get3A_561 : vector<16xf32>
        %swap3A_583 = arith.index_cast %scan3A_365 : i32 to index
        %swap3A_584 = arith.constant 96 : index
        %swap3A_585 = tpu.vector_load %arg16[%swap3A_583, %swap3A_584] {strides = array<i32>} : memref<96x128xf32, #tpu.memory_space<vmem>>, vector<1x16xf32>,
        %swap3A_586 = vector.shape_cast %swap3A_585 : vector<1x16xf32> to vector<16xf32>
        %swap3A_587 = vector.shape_cast %add3A_582 : vector<16xf32> to vector<1x16xf32>
        tpu.vector_store %arg16[%swap3A_583, %swap3A_584], %swap3A_587 {strides = array<i32>} : memref<96x128xf32, #tpu.memory_space<vmem>>, vector<1x16xf32>,
        %add3A_588 = arith.constant 104 : i32
        %add3A_589 = arith.addi %add3A_588, %scan3A_365 : i32
        %get3A_590 = arith.index_cast %add3A_589 : i32 to index
        %get3A_591 = arith.constant 112 : index
        %get3A_592 = tpu.vector_load %arg6[%get3A_590, %get3A_591] {strides = array<i32>} : memref<200x128xf32, #tpu.memory_space<vmem>>, vector<1x16xf32>,
        %get3A_593 = vector.shape_cast %get3A_592 : vector<1x16xf32> to vector<16xf32>
        %get3A_594 = arith.index_cast %scan3A_365 : i32 to index
        %get3A_595 = arith.constant 112 : index
        %get3A_596 = tpu.vector_load %arg14[%get3A_594, %get3A_595] {strides = array<i32>} : memref<96x128xf32, #tpu.memory_space<vmem>>, vector<1x16xf32>,
        %get3A_597 = vector.shape_cast %get3A_596 : vector<1x16xf32> to vector<16xf32>
        %mul3A_598 = arith.constant 11.3137083 : f32
        %mul3A_599 = vector.broadcast %mul3A_598 : f32 to vector<16xf32>
        %mul3A_600 = arith.mulf %get3A_597, %mul3A_599 : vector<16xf32>
        %add3A_601 = arith.addf %mul3A_600, %get3A_593 : vector<16xf32>
        %swap3A_602 = arith.index_cast %scan3A_365 : i32 to index
        %swap3A_603 = arith.constant 112 : index
        %swap3A_604 = tpu.vector_load %arg14[%swap3A_602, %swap3A_603] {strides = array<i32>} : memref<96x128xf32, #tpu.memory_space<vmem>>, vector<1x16xf32>,
        %swap3A_605 = vector.shape_cast %swap3A_604 : vector<1x16xf32> to vector<16xf32>
        %swap3A_606 = vector.shape_cast %add3A_601 : vector<16xf32> to vector<1x16xf32>
        tpu.vector_store %arg14[%swap3A_602, %swap3A_603], %swap3A_606 {strides = array<i32>} : memref<96x128xf32, #tpu.memory_space<vmem>>, vector<1x16xf32>,
        %get3A_607 = arith.index_cast %scan3A_365 : i32 to index
        %get3A_608 = arith.constant 112 : index
        %get3A_609 = tpu.vector_load %arg16[%get3A_607, %get3A_608] {strides = array<i32>} : memref<96x128xf32, #tpu.memory_space<vmem>>, vector<1x16xf32>,
        %get3A_610 = vector.shape_cast %get3A_609 : vector<1x16xf32> to vector<16xf32>
        %mul3A_611 = arith.constant 11.3137083 : f32
        %mul3A_612 = vector.broadcast %mul3A_611 : f32 to vector<16xf32>
        %mul3A_613 = arith.mulf %get3A_610, %mul3A_612 : vector<16xf32>
        %add3A_614 = arith.addf %mul3A_613, %get3A_593 : vector<16xf32>
        %swap3A_615 = arith.index_cast %scan3A_365 : i32 to index
        %swap3A_616 = arith.constant 112 : index
        %swap3A_617 = tpu.vector_load %arg16[%swap3A_615, %swap3A_616] {strides = array<i32>} : memref<96x128xf32, #tpu.memory_space<vmem>>, vector<1x16xf32>,
        %swap3A_618 = vector.shape_cast %swap3A_617 : vector<1x16xf32> to vector<16xf32>
        %swap3A_619 = vector.shape_cast %add3A_614 : vector<16xf32> to vector<1x16xf32>
        tpu.vector_store %arg16[%swap3A_615, %swap3A_616], %swap3A_619 {strides = array<i32>} : memref<96x128xf32, #tpu.memory_space<vmem>>, vector<1x16xf32>,
      }
      %scan3A_333 = arith.constant 96 : i32
      %mul3A_334 = arith.constant 4 : i32
      %mul3A_335 = arith.muli %mul3A_334, %scan3A_126 : i32
      %add3A_336 = arith.addi %mul3A_2, %mul3A_335 : i32
      %add3A_337 = arith.constant 2 : i32
      %add3A_338 = arith.addi %add3A_336, %add3A_337 : i32
      %mul3A_339 = arith.constant 200 : i32
      %mul3A_340 = arith.muli %add3A_338, %mul3A_339 : i32
      %add3A_341 = arith.constant 104 : i32
      %add3A_342 = arith.addi %mul3A_340, %add3A_341 : i32
      %dma_start3A_343 = arith.constant 0 : i32
      %dma_start3A_344 = tpu.memref_slice %arg5[%add3A_342, %dma_start3A_343] : memref<819200x128xf32, #tpu.memory_space<hbm>> -> memref<96x128xf32, #tpu.memory_space<hbm>>
      %dma_start3A_345 = arith.constant 0 : i32
      %dma_start3A_346 = tpu.memref_slice %arg5[%add3A_342, %dma_start3A_345] : memref<819200x128xf32, #tpu.memory_space<hbm>> -> memref<96x128xf32, #tpu.memory_space<hbm>>
      tpu.enqueue_dma source(%arg14 : memref<96x128xf32, #tpu.memory_space<vmem>>) target(%dma_start3A_346 : memref<96x128xf32, #tpu.memory_space<hbm>>) target_semaphore(%arg30 : memref<!tpu.dma_semaphore, #tpu.memory_space<semaphore_mem>>)
      %mul3A_347 = arith.constant 4 : i32
      %mul3A_348 = arith.muli %mul3A_347, %scan3A_126 : i32
      %add3A_349 = arith.addi %mul3A_2, %mul3A_348 : i32
      %add3A_350 = arith.constant 3 : i32
      %add3A_351 = arith.addi %add3A_349, %add3A_350 : i32
      %mul3A_352 = arith.constant 200 : i32
      %mul3A_353 = arith.muli %add3A_351, %mul3A_352 : i32
      %add3A_354 = arith.constant 104 : i32
      %add3A_355 = arith.addi %mul3A_353, %add3A_354 : i32
      %dma_start3A_356 = arith.constant 0 : i32
      %dma_start3A_357 = tpu.memref_slice %arg5[%add3A_355, %dma_start3A_356] : memref<819200x128xf32, #tpu.memory_space<hbm>> -> memref<96x128xf32, #tpu.memory_space<hbm>>
      %dma_start3A_358 = arith.constant 0 : i32
      %dma_start3A_359 = tpu.memref_slice %arg5[%add3A_355, %dma_start3A_358] : memref<819200x128xf32, #tpu.memory_space<hbm>> -> memref<96x128xf32, #tpu.memory_space<hbm>>
      tpu.enqueue_dma source(%arg16 : memref<96x128xf32, #tpu.memory_space<vmem>>) target(%dma_start3A_359 : memref<96x128xf32, #tpu.memory_space<hbm>>) target_semaphore(%arg32 : memref<!tpu.dma_semaphore, #tpu.memory_space<semaphore_mem>>)
      %lt3A_360 = arith.constant 31 : i32
      %lt3A_361 = arith.cmpi slt, %scan3A_126, %lt3A_360 : i32
      %convert_element_type3A_362 = arith.extui %lt3A_361 : i1 to i32
      %cond3A_363 = arith.constant 0 : i32
      %cond3A_364 = arith.cmpi ne, %convert_element_type3A_362, %cond3A_363 : i32
      scf.if %cond3A_364 {
        %mul3A_365 = arith.constant 4 : i32
        %mul3A_366 = arith.muli %mul3A_365, %scan3A_126 : i32
        %add3A_367 = arith.addi %mul3A_2, %mul3A_366 : i32
        %add3A_368 = arith.constant 1 : i32
        %add3A_369 = arith.addi %add3A_367, %add3A_368 : i32
        %mul3A_370 = arith.constant 200 : i32
        %mul3A_371 = arith.muli %add3A_369, %mul3A_370 : i32
        %add3A_372 = arith.constant 104 : i32
        %add3A_373 = arith.addi %mul3A_371, %add3A_372 : i32
        %dma_wait3A_374 = arith.constant 0 : i32
        %dma_wait3A_375 = tpu.memref_slice %arg5[%add3A_373, %dma_wait3A_374] : memref<819200x128xf32, #tpu.memory_space<hbm>> -> memref<96x128xf32, #tpu.memory_space<hbm>>
        %dma_wait3A_376 = arith.constant 0 : i32
        %dma_wait3A_377 = tpu.memref_slice %arg5[%add3A_373, %dma_wait3A_376] : memref<819200x128xf32, #tpu.memory_space<hbm>> -> memref<96x128xf32, #tpu.memory_space<hbm>>
        tpu.wait_dma2 semaphore(%arg28 : memref<!tpu.dma_semaphore, #tpu.memory_space<semaphore_mem>>) src(%arg12 : memref<96x128xf32, #tpu.memory_space<vmem>>) dst(%dma_wait3A_377 : memref<96x128xf32, #tpu.memory_space<hbm>>)
        %dma_start3A_378 = arith.constant 304 : i32
        %dma_start3A_379 = tpu.memref_slice %arg7[%dma_start3A_378] : memref<400xi32, #tpu.memory_space<vmem>> -> memref<96xi32, #tpu.memory_space<vmem>>
        %dma_start3A_380 = arith.constant 0 : i32
        %dma_start3A_381 = arith.constant 0 : i32
        %dma_start3A_382 = tpu.memref_slice %arg3[%dma_start3A_380, %dma_start3A_381] : memref<1000000x128xf32, #tpu.memory_space<hbm>> -> memref<1000000x128xf32, #tpu.memory_space<hbm>>
        tpu.enqueue_indirect_dma source(%dma_start3A_382 : memref<1000000x128xf32, #tpu.memory_space<hbm>>) target(%arg12 : memref<96x128xf32, #tpu.memory_space<vmem>>) offsets(%dma_start3A_379 : memref<96xi32, #tpu.memory_space<vmem>>) semaphore(%arg20 : memref<!tpu.dma_semaphore, #tpu.memory_space<semaphore_mem>>)
      } else {
      }
    }
    %scan3A_30 = arith.constant 32 : i32
    %add3A_31 = arith.constant 124 : i32
    %add3A_32 = arith.addi %mul3A_2, %add3A_31 : i32
    %add3A_33 = arith.constant 0 : i32
    %add3A_34 = arith.addi %add3A_32, %add3A_33 : i32
    %mul3A_35 = arith.constant 200 : i32
    %mul3A_36 = arith.muli %add3A_34, %mul3A_35 : i32
    %add3A_37 = arith.constant 0 : i32
    %add3A_38 = arith.addi %mul3A_36, %add3A_37 : i32
    %dma_wait3A = arith.constant 0 : i32
    %dma_wait3A_39 = tpu.memref_slice %arg5[%add3A_38, %dma_wait3A] : memref<819200x128xf32, #tpu.memory_space<hbm>> -> memref<104x128xf32, #tpu.memory_space<hbm>>
    %dma_wait3A_40 = arith.constant 0 : i32
    %dma_wait3A_41 = tpu.memref_slice %arg5[%add3A_38, %dma_wait3A_40] : memref<819200x128xf32, #tpu.memory_space<hbm>> -> memref<104x128xf32, #tpu.memory_space<hbm>>
    tpu.wait_dma2 semaphore(%arg25 : memref<!tpu.dma_semaphore, #tpu.memory_space<semaphore_mem>>) src(%arg9 : memref<104x128xf32, #tpu.memory_space<vmem>>) dst(%dma_wait3A_41 : memref<104x128xf32, #tpu.memory_space<hbm>>)
    %add3A_42 = arith.constant 124 : i32
    %add3A_43 = arith.addi %mul3A_2, %add3A_42 : i32
    %add3A_44 = arith.constant 0 : i32
    %add3A_45 = arith.addi %add3A_43, %add3A_44 : i32
    %mul3A_46 = arith.constant 200 : i32
    %mul3A_47 = arith.muli %add3A_45, %mul3A_46 : i32
    %add3A_48 = arith.constant 104 : i32
    %add3A_49 = arith.addi %mul3A_47, %add3A_48 : i32
    %dma_wait3A_50 = arith.constant 0 : i32
    %dma_wait3A_51 = tpu.memref_slice %arg5[%add3A_49, %dma_wait3A_50] : memref<819200x128xf32, #tpu.memory_space<hbm>> -> memref<96x128xf32, #tpu.memory_space<hbm>>
    %dma_wait3A_52 = arith.constant 0 : i32
    %dma_wait3A_53 = tpu.memref_slice %arg5[%add3A_49, %dma_wait3A_52] : memref<819200x128xf32, #tpu.memory_space<hbm>> -> memref<96x128xf32, #tpu.memory_space<hbm>>
    tpu.wait_dma2 semaphore(%arg26 : memref<!tpu.dma_semaphore, #tpu.memory_space<semaphore_mem>>) src(%arg10 : memref<96x128xf32, #tpu.memory_space<vmem>>) dst(%dma_wait3A_53 : memref<96x128xf32, #tpu.memory_space<hbm>>)
    %add3A_54 = arith.constant 124 : i32
    %add3A_55 = arith.addi %mul3A_2, %add3A_54 : i32
    %add3A_56 = arith.constant 1 : i32
    %add3A_57 = arith.addi %add3A_55, %add3A_56 : i32
    %mul3A_58 = arith.constant 200 : i32
    %mul3A_59 = arith.muli %add3A_57, %mul3A_58 : i32
    %add3A_60 = arith.constant 0 : i32
    %add3A_61 = arith.addi %mul3A_59, %add3A_60 : i32
    %dma_wait3A_62 = arith.constant 0 : i32
    %dma_wait3A_63 = tpu.memref_slice %arg5[%add3A_61, %dma_wait3A_62] : memref<819200x128xf32, #tpu.memory_space<hbm>> -> memref<104x128xf32, #tpu.memory_space<hbm>>
    %dma_wait3A_64 = arith.constant 0 : i32
    %dma_wait3A_65 = tpu.memref_slice %arg5[%add3A_61, %dma_wait3A_64] : memref<819200x128xf32, #tpu.memory_space<hbm>> -> memref<104x128xf32, #tpu.memory_space<hbm>>
    tpu.wait_dma2 semaphore(%arg27 : memref<!tpu.dma_semaphore, #tpu.memory_space<semaphore_mem>>) src(%arg11 : memref<104x128xf32, #tpu.memory_space<vmem>>) dst(%dma_wait3A_65 : memref<104x128xf32, #tpu.memory_space<hbm>>)
    %add3A_66 = arith.constant 124 : i32
    %add3A_67 = arith.addi %mul3A_2, %add3A_66 : i32
    %add3A_68 = arith.constant 1 : i32
    %add3A_69 = arith.addi %add3A_67, %add3A_68 : i32
    %mul3A_70 = arith.constant 200 : i32
    %mul3A_71 = arith.muli %add3A_69, %mul3A_70 : i32
    %add3A_72 = arith.constant 104 : i32
    %add3A_73 = arith.addi %mul3A_71, %add3A_72 : i32
    %dma_wait3A_74 = arith.constant 0 : i32
    %dma_wait3A_75 = tpu.memref_slice %arg5[%add3A_73, %dma_wait3A_74] : memref<819200x128xf32, #tpu.memory_space<hbm>> -> memref<96x128xf32, #tpu.memory_space<hbm>>
    %dma_wait3A_76 = arith.constant 0 : i32
    %dma_wait3A_77 = tpu.memref_slice %arg5[%add3A_73, %dma_wait3A_76] : memref<819200x128xf32, #tpu.memory_space<hbm>> -> memref<96x128xf32, #tpu.memory_space<hbm>>
    tpu.wait_dma2 semaphore(%arg28 : memref<!tpu.dma_semaphore, #tpu.memory_space<semaphore_mem>>) src(%arg12 : memref<96x128xf32, #tpu.memory_space<vmem>>) dst(%dma_wait3A_77 : memref<96x128xf32, #tpu.memory_space<hbm>>)
    %add3A_78 = arith.constant 124 : i32
    %add3A_79 = arith.addi %mul3A_2, %add3A_78 : i32
    %add3A_80 = arith.constant 2 : i32
    %add3A_81 = arith.addi %add3A_79, %add3A_80 : i32
    %mul3A_82 = arith.constant 200 : i32
    %mul3A_83 = arith.muli %add3A_81, %mul3A_82 : i32
    %add3A_84 = arith.constant 0 : i32
    %add3A_85 = arith.addi %mul3A_83, %add3A_84 : i32
    %dma_wait3A_86 = arith.constant 0 : i32
    %dma_wait3A_87 = tpu.memref_slice %arg5[%add3A_85, %dma_wait3A_86] : memref<819200x128xf32, #tpu.memory_space<hbm>> -> memref<104x128xf32, #tpu.memory_space<hbm>>
    %dma_wait3A_88 = arith.constant 0 : i32
    %dma_wait3A_89 = tpu.memref_slice %arg5[%add3A_85, %dma_wait3A_88] : memref<819200x128xf32, #tpu.memory_space<hbm>> -> memref<104x128xf32, #tpu.memory_space<hbm>>
    tpu.wait_dma2 semaphore(%arg29 : memref<!tpu.dma_semaphore, #tpu.memory_space<semaphore_mem>>) src(%arg13 : memref<104x128xf32, #tpu.memory_space<vmem>>) dst(%dma_wait3A_89 : memref<104x128xf32, #tpu.memory_space<hbm>>)
    %add3A_90 = arith.constant 124 : i32
    %add3A_91 = arith.addi %mul3A_2, %add3A_90 : i32
    %add3A_92 = arith.constant 2 : i32
    %add3A_93 = arith.addi %add3A_91, %add3A_92 : i32
    %mul3A_94 = arith.constant 200 : i32
    %mul3A_95 = arith.muli %add3A_93, %mul3A_94 : i32
    %add3A_96 = arith.constant 104 : i32
    %add3A_97 = arith.addi %mul3A_95, %add3A_96 : i32
    %dma_wait3A_98 = arith.constant 0 : i32
    %dma_wait3A_99 = tpu.memref_slice %arg5[%add3A_97, %dma_wait3A_98] : memref<819200x128xf32, #tpu.memory_space<hbm>> -> memref<96x128xf32, #tpu.memory_space<hbm>>
    %dma_wait3A_100 = arith.constant 0 : i32
    %dma_wait3A_101 = tpu.memref_slice %arg5[%add3A_97, %dma_wait3A_100] : memref<819200x128xf32, #tpu.memory_space<hbm>> -> memref<96x128xf32, #tpu.memory_space<hbm>>
    tpu.wait_dma2 semaphore(%arg30 : memref<!tpu.dma_semaphore, #tpu.memory_space<semaphore_mem>>) src(%arg14 : memref<96x128xf32, #tpu.memory_space<vmem>>) dst(%dma_wait3A_101 : memref<96x128xf32, #tpu.memory_space<hbm>>)
    %add3A_102 = arith.constant 124 : i32
    %add3A_103 = arith.addi %mul3A_2, %add3A_102 : i32
    %add3A_104 = arith.constant 3 : i32
    %add3A_105 = arith.addi %add3A_103, %add3A_104 : i32
    %mul3A_106 = arith.constant 200 : i32
    %mul3A_107 = arith.muli %add3A_105, %mul3A_106 : i32
    %add3A_108 = arith.constant 0 : i32
    %add3A_109 = arith.addi %mul3A_107, %add3A_108 : i32
    %dma_wait3A_110 = arith.constant 0 : i32
    %dma_wait3A_111 = tpu.memref_slice %arg5[%add3A_109, %dma_wait3A_110] : memref<819200x128xf32, #tpu.memory_space<hbm>> -> memref<104x128xf32, #tpu.memory_space<hbm>>
    %dma_wait3A_112 = arith.constant 0 : i32
    %dma_wait3A_113 = tpu.memref_slice %arg5[%add3A_109, %dma_wait3A_112] : memref<819200x128xf32, #tpu.memory_space<hbm>> -> memref<104x128xf32, #tpu.memory_space<hbm>>
    tpu.wait_dma2 semaphore(%arg31 : memref<!tpu.dma_semaphore, #tpu.memory_space<semaphore_mem>>) src(%arg15 : memref<104x128xf32, #tpu.memory_space<vmem>>) dst(%dma_wait3A_113 : memref<104x128xf32, #tpu.memory_space<hbm>>)
    %add3A_114 = arith.constant 124 : i32
    %add3A_115 = arith.addi %mul3A_2, %add3A_114 : i32
    %add3A_116 = arith.constant 3 : i32
    %add3A_117 = arith.addi %add3A_115, %add3A_116 : i32
    %mul3A_118 = arith.constant 200 : i32
    %mul3A_119 = arith.muli %add3A_117, %mul3A_118 : i32
    %add3A_120 = arith.constant 104 : i32
    %add3A_121 = arith.addi %mul3A_119, %add3A_120 : i32
    %dma_wait3A_122 = arith.constant 0 : i32
    %dma_wait3A_123 = tpu.memref_slice %arg5[%add3A_121, %dma_wait3A_122] : memref<819200x128xf32, #tpu.memory_space<hbm>> -> memref<96x128xf32, #tpu.memory_space<hbm>>
    %dma_wait3A_124 = arith.constant 0 : i32
    %dma_wait3A_125 = tpu.memref_slice %arg5[%add3A_121, %dma_wait3A_124] : memref<819200x128xf32, #tpu.memory_space<hbm>> -> memref<96x128xf32, #tpu.memory_space<hbm>>
    tpu.wait_dma2 semaphore(%arg32 : memref<!tpu.dma_semaphore, #tpu.memory_space<semaphore_mem>>) src(%arg16 : memref<96x128xf32, #tpu.memory_space<vmem>>) dst(%dma_wait3A_125 : memref<96x128xf32, #tpu.memory_space<hbm>>)
    return
  }
}

</mosaic_0001>

<sc_bundles>
// kernel: _impl.3.cloned.1.call-start
scs
__scs_entry_jumppad:
0x0: {  	(pc) =	sbr.rel $0x88, $3  }
0x1: {  	(tag) =	ssettag $0x0;
	lr =	simm.s32 $0x1  }
0x2: {  	[smem:$0x3F9F] =	sst lr;
	_ =	strace $0xD0000000  }
0x3: {  	_ = 	snop  }
0x4: {  	_ = 	snop  }
0x5: {  	_ = 	snop  }
0x6: {  	_ = 	snop  }
0x7: {  	_ = 	snop  }
__scs_overlays_trampoline_lowered:
0x8: {  	[smem:$0x3FAE] =	sst s0  }
0x9: {  	[smem:$0x3FAF] =	sst s1  }
0xa: {  	[smem:$0x3FB0] =	sst s2  }
0xb: {  	[smem:$0x3FB1] =	sst s3  }
0xc: {  	[smem:$0x3FB2] =	sst s4  }
0xd: {  	[smem:$0x3FB3] =	sst s5  }
0xe: {  	[smem:$0x3FB4] =	sst s6  }
0xf: {  	[smem:$0x3FB5] =	sst s7  }
0x10: {  	[smem:$0x3FB6] =	sst s8  }
0x11: {  	[smem:$0x3FB7] =	sst s9;
	s0 =	simm.s32 @!p0 $0x0  }
0x12: {  	s1 =	sld [smem:$0x3F9D];
	s0 =	simm.s32 @p0 $0x1  }
0x13: {  	[smem:$0x3FB8] =	sst s0;
	s0 =	simm.s32 @!p1 $0x0  }
0x14: {  	s2 =	sld [smem:$0x3F9C];
	s0 =	simm.s32 @p1 $0x1  }
0x15: {  	[smem:$0x3FB9] =	sst s0;
	s0 =	simm.s32 @!p2 $0x0  }
0x16: {  	s3 =	sld [smem:$0x3FDB];
	s0 =	simm.s32 @p2 $0x1  }
0x17: {  	s4 =	simm.s32 $0x1BF5;
	[smem:$0x3FBB] =	sst s0  }
0x18: {  	s0 =	sld [smem:$0x3F9E];
	_ =	swait.ge [sflag:s4], $0x0  }
0x19: {  	s7 =	sld [smem:$0x3F9F]  }
0x1a: {  	s8 =	sadd.s32 $0xFFFFE003, lr  }
0x1b: {  	s9 =	sadd.s32 $0xFFFFFEF7, lr;
	s5 =	simm.s32 $0xFFFFFFFF;
	p2 =	slt.u32 s8, $0xFFFFF086  }
0x1c: {  	p1 =	slt.u32 s9, $0xF7A;
	s5 =	simm.s32 @!p2 $0x0  }
0x1d: {  	s5 =	simm.s32 @p1 $0x1;
	p0 =	seq.s32 s7, s2  }
0x1e: {  	s7 =	smul.u32 @!p0 $0xF7A, s2;
	p2 =	seq.s32 @!p0 s5, $0x0  }
0x1f: {  	s9 =	smul.u32 $0xF7A, s1;
	s8 =	simm.s32 @!p0 $0x1BF5;
	p2 =	por !p2, p0  }
0x20: {  	[sflag:s8] =	ssyncset.s32 @!p0 $0xFFFFF086;
	s6 =	sadd.s32 @!p0 s3, s7;
	s7 =	simm.s32 @!p0 $0x108  }
0x21: {  	s3 =	sadd.s32 s3, s9;
	s6 =	sadd.s32 @!p0 $0x88, s6;
	s7 =	simm.s32 @p2 $0x1082  }
0x22: {  	[simem:s7], [sflag:s8] =	dma.local @!p0 [hbm:s6], $0xF7A  }
0x23: {  	s9 =	sor.u32 $0xD0000000, s2;
	s6 =	simm.s32 $0x108;
	_ =	swait.ge @!p0 [sflag:s8], $0x0  }
0x24: {  	s3 =	sadd.s32 $0x88, s3;
	s6 =	simm.s32 @!p1 $0x1082;
	[sflag:s4] =	ssyncset.s32 $0xFFFFF086  }
0x25: {  	[simem:s6], [sflag:s4] =	dma.local [hbm:s3], $0xF7A  }
0x26: {  	[smem:$0x3F9F] =	sst s1;
	(tag) =	ssettag s2;
	_ =	strace s9  }
0x27: {  	s1 =	sld [smem:$0x3FAF]  }
0x28: {  	s2 =	sld [smem:$0x3FB0]  }
0x29: {  	s4 =	sld [smem:$0x3FB2]  }
0x2a: {  	p0 =	seq.s32 s5, $0x0;
	s5 =	sld [smem:$0x3FB3]  }
0x2b: {  	s6 =	sld [smem:$0x3FB4]  }
0x2c: {  	s7 =	sld [smem:$0x3FB5]  }
0x2d: {  	s3 =	simm.s32 $0x108;
	s8 =	sld [smem:$0x3FB6]  }
0x2e: {  	s3 =	simm.s32 @!p0 $0x1082;
	s9 =	sld [smem:$0x3FB7]  }
0x2f: {  	lr =	sadd.s32 s0, s3;
	s0 =	sld [smem:$0x3FAE]  }
0x30: {  	s3 =	sld [smem:$0x3FB1]  }
0x31: {  	[smem:$0x3FBA] =	sst s10  }
0x32: {  	s10 =	sld [smem:$0x3FB8];
	_ =	sdelay $0x3  }
0x33: {  	p0 =	seq.s32 s10, $0x1;
	s10 =	sld [smem:$0x3FBA];
	_ =	sdelay $0x3  }
0x34: {  	[smem:$0x3FBA] =	sst s10  }
0x35: {  	s10 =	sld [smem:$0x3FB9];
	_ =	sdelay $0x3  }
0x36: {  	p1 =	seq.s32 s10, $0x1;
	s10 =	sld [smem:$0x3FBA];
	_ =	sdelay $0x3  }
0x37: {  	[smem:$0x3FBA] =	sst s10  }
0x38: {  	s10 =	sld [smem:$0x3FBB]  }
0x39: {  	_ = 	snop;
	(pc) =	sbr.ind lr, $3  }
0x3a: {  	_ = 	snop  }
0x3b: {  	_ = 	snop  }
0x3c: {  	p2 =	seq.s32 s10, $0x1;
	s10 =	sld [smem:$0x3FBA]  }
0x3d: {  	_ =	shalt  }
0x3e: {  	_ =	shalt  }
0x3f: {  	_ =	shalt  }
0x40: {  	_ =	shalt  }
0x41: {  	_ =	shalt  }
0x42: {  	_ =	shalt  }
0x43: {  	_ =	shalt  }
0x44: {  	_ =	shalt  }
0x45: {  	_ =	shalt  }
0x46: {  	_ =	shalt  }
0x47: {  	_ =	shalt  }
0x48: {  	_ =	shalt  }
0x49: {  	_ =	shalt  }
0x4a: {  	_ =	shalt  }
0x4b: {  	_ =	shalt  }
0x4c: {  	_ =	shalt  }
0x4d: {  	_ =	shalt  }
0x4e: {  	_ =	shalt  }
0x4f: {  	_ =	shalt  }
0x50: {  	_ =	shalt  }
0x51: {  	_ =	shalt  }
0x52: {  	_ =	shalt  }
0x53: {  	_ =	shalt  }
0x54: {  	_ =	shalt  }
0x55: {  	_ =	shalt  }
0x56: {  	_ =	shalt  }
0x57: {  	_ =	shalt  }
0x58: {  	_ =	shalt  }
0x59: {  	_ =	shalt  }
0x5a: {  	_ =	shalt  }
0x5b: {  	_ =	shalt  }
0x5c: {  	_ =	shalt  }
0x5d: {  	_ =	shalt  }
0x5e: {  	_ =	shalt  }
0x5f: {  	_ =	shalt  }
0x60: {  	_ =	shalt  }
0x61: {  	_ =	shalt  }
0x62: {  	_ =	shalt  }
0x63: {  	_ =	shalt  }
0x64: {  	_ =	shalt  }
0x65: {  	_ =	shalt  }
0x66: {  	_ =	shalt  }
0x67: {  	_ =	shalt  }
0x68: {  	_ =	shalt  }
0x69: {  	_ =	shalt  }
0x6a: {  	_ =	shalt  }
0x6b: {  	_ =	shalt  }
0x6c: {  	_ =	shalt  }
0x6d: {  	_ =	shalt  }
0x6e: {  	_ =	shalt  }
0x6f: {  	_ =	shalt  }
0x70: {  	_ =	shalt  }
0x71: {  	_ =	shalt  }
0x72: {  	_ =	shalt  }
0x73: {  	_ =	shalt  }
0x74: {  	_ =	shalt  }
0x75: {  	_ =	shalt  }
0x76: {  	_ =	shalt  }
0x77: {  	_ =	shalt  }
0x78: {  	_ =	shalt  }
0x79: {  	_ =	shalt  }
0x7a: {  	_ =	shalt  }
0x7b: {  	_ =	shalt  }
0x7c: {  	_ =	shalt  }
0x7d: {  	_ =	shalt  }
0x7e: {  	_ =	shalt  }
0x7f: {  	_ =	shalt  }
0x80: {  	_ =	shalt  }
0x81: {  	_ =	shalt  }
0x82: {  	_ =	shalt  }
0x83: {  	_ =	shalt  }
0x84: {  	_ =	shalt  }
0x85: {  	_ =	shalt  }
0x86: {  	_ =	shalt  }
0x87: {  	_ =	shalt  }
.Lfunc_end0:
.L_simem_size_0:
called_computation_lowered:
.L_overlay_start_0:
0x88: {  	s2 =	sld [smem:$0x3FD9]  }
0x89: {  	s3 =	sld [smem:$0x3FFE];
	_ =	sdelay $0x1  }
0x8a: {  	s1 =	srdreg.scid  }
0x8b: {  	s0 =	sand.u32 $0x1, s1  }
0x8c: {  	s17 =	sshll.u32 s0, $0xA;
	s2 =	sadd.s32 s3, s2  }
0x8d: {  	s2 =	sadd.s32 s2, s17  }
0x8e: {  	[smem:$0x3FC6] =	sst s2  }
0x8f: {  	_ = 	snop  }
0x90: {  	s2 =	sld [smem:$0x3FC8]  }
0x91: {  	s18 =	sld [smem:$0x3FD0];
	(tm) =	ssettm $0x1  }
0x92: {  	s4 =	sld [smem:$0x3FFB];
	_ =	sdelay $0x3  }
0x93: {  	_ =	strace s4  }
0x94: {  	s4 =	sld [smem:$0x3FFC];
	_ =	sdelay $0x3  }
0x95: {  	_ =	strace s4  }
0x96: {  	s4 =	sld [smem:$0x3FFD];
	_ =	sdelay $0x3  }
0x97: {  	_ =	strace s4  }
0x98: {  	_ =	strace $0x8FFFFFFF  }
0x99: {  	s19 =	sld [smem:$0x3FDB];
	_ =	sdelay $0x1  }
0x9a: {  	s5 =	simm.s32 $_scs_section_size  }
0x9b: {  	s6 =	simm.s32 $_size__tile_overlayer_lowered;
	s7 =	simm.s32 $_tile_overlayer_lowered  }
0x9c: {  	s22 =	simm.s32 $0x1BFF;
	s21 =	sshll.u32 s7, $0x1;
	s4 =	sadd.s32 s5, s19  }
0x9d: {  	s8 =	simm.s32 $0x0;
	s20 =	sshll.u32 s6, $0x1;
	s6 =	sadd.s32 s21, s4  }
0x9e: {  	[timem:s8], [sflag:s22] =	dma.local [hbm:s6], s20  }
0x9f: {  	_ =	swait.ge [sflag:s22], s20  }
0xa0: {  	s5 =	ssub.s32 $0x0, s20;
	[sflag:s22] =	ssyncset.done $0x0  }
0xa1: {  	[sflag:s22] =	ssyncadd.s32 s5;
	_ =	sdelay $0x1  }
0xa2: {  	s23 =	simm.s32 $0x1B8B  }
0xa3: {  	_ =	swait.ge [sflag:s23], $0x1  }
0xa4: {  	[sflag:s23] =	ssyncset.done $0x0  }
0xa5: {  	s25 =	simm.s32 $0x1B8E;
	s24 =	sld [smem:$0x3FFE];
	[sflag:s23] =	ssyncadd.s32 $0xFFFFFFFF  }
0xa6: {  	s26 =	simm.s32 $execute0_lowered;
	[smem:$0x3FD2] =	sst s25  }
0xa7: {  	s6 =	sshll.u32 s26, $0x1;
	_ =	strace $0x80000046;
	[dreg:$0x1] =	wrdreg $0xFFFFFFFF  }
0xa8: {  	s28 =	simm.s32 $_size_execute0_lowered;
	s4 =	sadd.s32 s4, s6;
	[dreg:$0x0] =	wrdreg $0x0  }
0xa9: {  	s6 =	sshll.u32 s28, $0x1;
	[dreg:$0x2] =	wrdreg s4  }
0xaa: {  	[dreg:$0x3] =	wrdreg s6  }
0xab: {  	[dreg:$0x4] =	wrdreg $0xC0  }
0xac: {  	_ =	task [dreg:s8], $0x5FFFF  }
0xad: {  	[dreg:$0x1] =	wrdreg $0xFFFFFFFF  }
0xae: {  	[dreg:$0x0] =	wrdreg $0x60  }
0xaf: {  	[dreg:$0x2] =	wrdreg s24  }
0xb0: {  	[dreg:$0x3] =	wrdreg s2  }
0xb1: {  	[dreg:$0x4] =	wrdreg s18  }
0xb2: {  	[dreg:$0x5] =	wrdreg $0x9  }
0xb3: {  	_ =	task.clear_ibuf [dreg:s8], $0x6FFFF;
	_ =	strace $0x90000046  }
0xb4: {  	s29 =	simm.s32 $0x9;
	_ =	strace $0x80000048  }
0xb5: {  	_ =	swait.ge [sflag:s29], $0x1  }
0xb6: {  	[sflag:s29] =	ssyncadd.s32 $0xFFFFFFFF  }
0xb7: {  	_ =	strace $0x90000048  }
0xb8: {  	_ =	sfence  }
0xb9: {  	s30 =	sld [smem:$0x0];
	_ =	sdelay $0x2  }
0xba: {  	s31 =	sshll.u32 s1, $0xD;
	s1 =	sshrl.u32 s1, $0x2  }
0xbb: {  	s3 =	sand.u32 $0x4000, s31;
	s1 =	sadd.s32 s1, s30  }
0xbc: {  	s0 =	sor.u32 s3, s0;
	s1 =	sshll.u32 s1, $0x11  }
0xbd: {  	s0 =	sor.u32 s1, s0  }
0xbe: {  	s0 =	sadd.s32 $0x8F2B, s0  }
0xbf: {  	[sflag:s0] =	ssyncadd.remote.s32 $0x1  }
0xc0: {  	_ =	sfence.sel $0xFFFF  }
0xc1: {  	[dreg:$0x0] =	wrdreg $0xFFFFFFFF;
	(pc) =	sbr.abs _section_cstart, $3  }
0xc2: {  	[dreg:$0x1] =	wrdreg $0xFFFFFFFF  }
0xc3: {  	_ =	task.clear_ibuf [dreg:s8], $0x2FFFF;
	_ =	strace $0x9FFFFFFF  }
0xc4: {  	(tm) =	ssettm $0x7FFFFFFF  }
0xc5: {  	_ =	shalt  }
tec
execute0_lowered:
.L_overlay_start_1:
0x0: {  	(tag) =	ssettag $0x1  }
0x1: {  	s0 =	rddreg [dreg:$0x0]  }
0x2: {  	s1 =	rddreg [dreg:$0x1]  }
0x3: {  	s3 =	rddreg [dreg:$0x2]  }
0x4: {  	s4 =	simm.s32 $0x0;
	s2 =	srdreg.scid;
	s5 =	stileid.u32  }
0x5: {  	s14 =	simm.s32 $0x11;
	s18 =	simm.s32 $0x60;
	s28 =	simm.s32 $0x16400  }
0x6: {  	s29 =	simm.s32 $0x1;
	s30 =	simm.s32 $0x3;
	s21 =	simm.s32 $0x4  }
0x7: {  	s13 =	simm.s32 $0xA;
	s19 =	simm.s32 $0x5;
	s31 =	simm.s32 $0x6  }
0x8: {  	s23 =	simm.s32 $0x8;
	s15 =	simm.s32 $0x0;
	[smem:$0x7FF] =	sst s4  }
0x9: {  	s2 =	sand.u32 $0x1, s2;
	s5 =	sshll.u32 s5, $0x1;
	s9 =	sadd.s32 $0xC80, s3  }
0xa: {  	s11 =	sadd.s32 $0x1900, s3;
	s6 =	ssub.s32 $0x2, s2;
	s2 =	sor.u32 s2, s5  }
0xb: {  	s5 =	sadd.s32 $0x600, s0;
	s0 =	sadd.s32 $0x19600, s0;
	s8 =	smul.u32 $0xC80, s2  }
0xc: {  	_ =	strace $0x80000047;
	s7 =	sshrl.u32 s6, $0x1;
	[dreg:$0x4] =	wrdreg s0  }
0xd: {  	s24 =	ssub.s32 s6, s7;
	s7 =	sshll.u32 s2, $0x7;
	s25 =	sadd.s32 s5, s8  }
0xe: {  	s12 =	sadd.s32 $0x2580, s3;
	s26 =	sor.u32 $0x4, s7;
	[dreg:$0x5] =	wrdreg s25  }
0xf: {  	s2 =	simm.s32 $0x2;
	s0 =	smax.u32 s24, $0x1;
	[dreg:$0x6] =	wrdreg s26  }
0x10: {  	s6 =	simm.s32 $0x1C800;
	s8 =	simm.s32 $0x9;
	[dreg:$0x7] =	wrdreg s0  }
0x11: {  	s0 =	simm.s32 $0x19400;
	s25 =	simm.s32 $0x7;
	s26 =	simm.s32 $0x10  }
.LBB2_1:
0x12: {  	[dreg:$0x8] =	wrdreg s15  }
0x13: {  	s10 =	rddreg [dreg:$0x4]  }
0x14: {  	[tilespmem:s4], [sflag:$0x11] =	stream.linear.gather [hbm4b:s10+s4], $0x6400, $0x38;
	[tilespmem:$0x1F800] =	vst v63  }
0x15: {  	_ =	swait.ge [sflag:s14], $0x6400  }
0x16: {  	[sflag:s14] =	ssyncset.done $0x0  }
0x17: {  	s20 =	simm.s32 $0x6400;
	s17 =	rddreg [dreg:$0x5];
	[sflag:s14] =	ssyncadd.s32 $0xFFFF9C00  }
0x18: {  	[tilespmem:s20], [sflag:$0x11] =	stream.linear.gather [hbm4b:s17+s4], $0x190, $0x38;
	[tilespmem:$0x1F800] =	vst v63  }
0x19: {  	_ =	swait.ge [sflag:s14], $0x190  }
0x1a: {  	[sflag:s14] =	ssyncset.done $0x0  }
0x1b: {  	s16 =	simm.s32 $0x6800;
	s10 =	simm.s32 $0x68;
	[sflag:s14] =	ssyncadd.s32 $0xFFFFFE70  }
0x1c: {  	[tilespmem:s16], [sflag:$0x1] =	stream.indirect.gather [hbm4b:s1+s10], $0x80, s20, s10, $0xb8;
	[tilespmem:$0x1F800] =	vst v63  }
0x1d: {  	s22 =	simm.s32 $0x6468;
	s24 =	simm.s32 $0x9C00  }
0x1e: {  	[tilespmem:s24], [sflag:$0x2] =	stream.indirect.gather [hbm4b:s1+s18], $0x80, s22, s18, $0xb8;
	[tilespmem:$0x1F800] =	vst v63  }
0x1f: {  	s17 =	simm.s32 $0x64C8;
	s20 =	simm.s32 $0xCC00  }
0x20: {  	[tilespmem:s20], [sflag:$0x3] =	stream.indirect.gather [hbm4b:s1+s10], $0x80, s17, s10, $0xb8;
	[tilespmem:$0x1F800] =	vst v63  }
0x21: {  	s22 =	simm.s32 $0x6530;
	s24 =	simm.s32 $0x10000  }
0x22: {  	[tilespmem:s24], [sflag:$0x4] =	stream.indirect.gather [hbm4b:s1+s18], $0x80, s22, s18, $0xb8;
	[tilespmem:$0x1F800] =	vst v63  }
0x23: {  	s22 =	simm.s32 $0x0  }
.LBB2_2:
0x24: {  	s24 =	sshll.u32 s22, $0x2  }
0x25: {  	s10 =	sadd.s32 s24, s7  }
0x26: {  	s10 =	smul.u32 $0x19, s10;
	_ =	sdelay $0x1  }
0x27: {  	s10 =	sadd.s32 s5, s10  }
0x28: {  	s15 =	simm.s32 $0x6600;
	s10 =	sadd.s32 $0x32, s10  }
0x29: {  	[tilespmem:s15], [sflag:$0x11] =	stream.linear.gather [hbm4b:s10+s4], $0x190, $0x38;
	[tilespmem:$0x1F800] =	vst v63  }
0x2a: {  	p0 =	seq.s32 s22, $0x0;
	_ =	swait.ge [sflag:s14], $0x190  }
0x2b: {  	s17 =	simm.s32 @p0 $0x13000;
	[sflag:s14] =	ssyncset.done $0x0  }
0x2c: {  	s10 =	simm.s32 @p0 $0x68;
	s15 =	simm.s32 @p0 $0x6600;
	[sflag:s14] =	ssyncadd.s32 $0xFFFFFE70  }
0x2d: {  	[tilespmem:s17], [sflag:$0x5] =	stream.indirect.gather @p0 [hbm4b:s1+s10], $0x80, s15, s10, $0xb8;
	[tilespmem:$0x1F800] =	vst v63  }
0x2e: {  	s10 =	simm.s32 @!p0 $0xD  }
0x2f: {  	_ =	swait.ge @!p0 [sflag:s10], $0x3400  }
0x30: {  	s15 =	simm.s32 @!p0 $0x6600;
	[sflag:s10] =	ssyncset.done @!p0 $0x0  }
0x31: {  	s17 =	simm.s32 @!p0 $0x13000;
	[sflag:s10] =	ssyncadd.s32 @!p0 $0xFFFFCC00;
	s10 =	simm.s32 @!p0 $0x68  }
0x32: {  	[tilespmem:s17], [sflag:$0x5] =	stream.indirect.gather @!p0 [hbm4b:s1+s10], $0x80, s15, s10, $0xb8;
	[tilespmem:$0x1F800] =	vst v63  }
0x33: {  	s10 =	simm.s32 @!p0 $0xE  }
0x34: {  	_ =	swait.ge @!p0 [sflag:s10], $0x3000  }
0x35: {  	[sflag:s10] =	ssyncset.done @!p0 $0x0  }
0x36: {  	s20 =	simm.s32 $0x6668;
	[sflag:s10] =	ssyncadd.s32 @!p0 $0xFFFFD000  }
0x37: {  	[tilespmem:s28], [sflag:$0x6] =	stream.indirect.gather [hbm4b:s1+s18], $0x80, s20, s18, $0xb8;
	[tilespmem:$0x1F800] =	vst v63  }
0x38: {  	_ =	swait.ge [sflag:s29], $0x3400  }
0x39: {  	[sflag:s29] =	ssyncset.done $0x0  }
0x3a: {  	[sflag:s29] =	ssyncadd.s32 $0xFFFFCC00  }
0x3b: {  	_ =	swait.ge [sflag:s30], $0x3400  }
0x3c: {  	[sflag:s30] =	ssyncset.done $0x0  }
0x3d: {  	s17 =	simm.s32 $0x0;
	[sflag:s30] =	ssyncadd.s32 $0xFFFFCC00  }
0x3e: {  	v3 =	vld [tilespmem:s17+$0x0]  }
0x3f: {  	v5 =	vld [tilespmem:s17+$0x10]  }
0x40: {  	v6 =	vld [tilespmem:s17+$0x20]  }
0x41: {  	v7 =	vld [tilespmem:s17+$0x30]  }
0x42: {  	v2 =	vld [tilespmem:s17+$0x40]  }
0x43: {  	v4 =	vld [tilespmem:s17+$0x6800]  }
0x44: {  	v8 =	vld [tilespmem:s17+$0xCC00]  }
0x45: {  	v1 =	vld [tilespmem:s17+$0x50]  }
0x46: {  	v9 =	vld [tilespmem:s17+$0x6810]  }
0x47: {  	v10 =	vld [tilespmem:s17+$0xCC10]  }
0x48: {  	v0 =	vld [tilespmem:s17+$0x60]  }
0x49: {  	v11 =	vld [tilespmem:s17+$0x6820];
	v4 =	vmul.f32 $1.131370830e+01, v4;
	v8 =	vmul.f32 $1.131370830e+01, v8  }
0x4a: {  	v12 =	vld [tilespmem:s17+$0xCC20]  }
0x4b: {  	v13 =	vld [tilespmem:s17+$0x6830];
	v4 =	vadd.f32 v4, v3;
	v3 =	vadd.f32 v8, v3;
	v8 =	vmul.f32 $1.131370830e+01, v9  }
0x4c: {  	v14 =	vld [tilespmem:s17+$0xCC30];
	v10 =	vmul.f32 $1.131370830e+01, v10  }
0x4d: {  	v15 =	vld [tilespmem:s17+$0x6840];
	[tilespmem:s17+$0x6800] =	vst v4;
	v8 =	vadd.f32 v8, v5  }
0x4e: {  	v9 =	vld [tilespmem:s17+$0xCC40];
	v10 =	vadd.f32 v10, v5;
	[tilespmem:s17+$0xCC00] =	vst v3;
	v3 =	vmul.f32 $1.131370830e+01, v11  }
0x4f: {  	v4 =	vld [tilespmem:s17+$0x6850];
	[tilespmem:s17+$0x6810] =	vst v8;
	v8 =	vmul.f32 $1.131370830e+01, v12  }
0x50: {  	v5 =	vld [tilespmem:s17+$0xCC50];
	[tilespmem:s17+$0xCC10] =	vst v10;
	v10 =	vmul.f32 $1.131370830e+01, v13;
	v11 =	vadd.f32 v3, v6  }
0x51: {  	v63 =	vmul.f32 $1.131370830e+01, v14;
	v3 =	vld [tilespmem:s17+$0x6860];
	v8 =	vadd.f32 v8, v6  }
0x52: {  	v10 =	vadd.f32 v10, v7;
	[tilespmem:s17+$0x6820] =	vst v11;
	v6 =	vld [tilespmem:s17+$0xCC60];
	v11 =	vmul.f32 $1.131370830e+01, v15  }
0x53: {  	s10 =	simm.s32 $0x200;
	v9 =	vmul.f32 $1.131370830e+01, v9;
	[tilespmem:s17+$0xCC20] =	vst v8;
	v8 =	vadd.f32 v63, v7;
	v7 =	vld [tilespmem:s17+$0x6870]  }
.LBB2_3:
0x54: {  	p1 =	sne.s32 s10, $0xCE00;
	[tilespmem:s17+$0x6830] =	vst v10;
	v10 =	vadd.f32 v11, v2;
	v4 =	vmul.f32 $1.131370830e+01, v4;
	v11 =	vld [tilespmem:s17+$0xCC70]  }
0x55: {  	s15 =	sshra.s32 s10, $0x2;
	[tilespmem:s17+$0xCC30] =	vst v8;
	v2 =	vadd.f32 v9, v2;
	v5 =	vmul.f32 $1.131370830e+01, v5;
	v8 =	vld [tilespmem:s17+$0x70]  }
0x56: {  	v9 =	vld [tilespmem:s15+$0x0];
	[tilespmem:s17+$0x6840] =	vst v10;
	v4 =	vadd.f32 v4, v1;
	v3 =	vmul.f32 $1.131370830e+01, v3  }
0x57: {  	v10 =	vld [tilespmem:s15+$0x10];
	[tilespmem:s17+$0xCC40] =	vst v2;
	v1 =	vadd.f32 v5, v1;
	v2 =	vmul.f32 $1.131370830e+01, v6  }
0x58: {  	v6 =	vld [tilespmem:s15+$0x20];
	[tilespmem:s17+$0x6850] =	vst v4;
	v3 =	vadd.f32 v3, v0;
	v4 =	vmul.f32 $1.131370830e+01, v7  }
0x59: {  	v7 =	vld [tilespmem:s15+$0x30];
	[tilespmem:s17+$0xCC50] =	vst v1;
	v0 =	vadd.f32 v2, v0;
	v5 =	vmul.f32 $1.131370830e+01, v11  }
0x5a: {  	v2 =	vld [tilespmem:s15+$0x40];
	[tilespmem:s17+$0x6860] =	vst v3;
	v3 =	vadd.f32 v4, v8  }
0x5b: {  	v1 =	vld [tilespmem:s15+$0x50];
	[tilespmem:s17+$0xCC60] =	vst v0;
	v4 =	vadd.f32 v5, v8  }
0x5c: {  	v0 =	vld [tilespmem:s15+$0x60];
	[tilespmem:s17+$0x6870] =	vst v3  }
0x5d: {  	v3 =	vld [tilespmem:s15+$0x6800];
	[tilespmem:s17+$0xCC70] =	vst v4;
	s17 =	smov.u32 s15  }
0x5e: {  	v4 =	vld [tilespmem:s17+$0xCC00]  }
0x5f: {  	v5 =	vld [tilespmem:s17+$0x6810]  }
0x60: {  	v8 =	vld [tilespmem:s17+$0xCC10]  }
0x61: {  	v11 =	vld [tilespmem:s17+$0x6820]  }
0x62: {  	v3 =	vmul.f32 $1.131370830e+01, v3;
	v12 =	vld [tilespmem:s17+$0xCC20]  }
0x63: {  	v4 =	vmul.f32 $1.131370830e+01, v4;
	v13 =	vld [tilespmem:s17+$0x6830]  }
0x64: {  	v3 =	vadd.f32 v3, v9;
	v5 =	vmul.f32 $1.131370830e+01, v5;
	v14 =	vld [tilespmem:s17+$0xCC30]  }
0x65: {  	v4 =	vadd.f32 v4, v9;
	v8 =	vmul.f32 $1.131370830e+01, v8;
	v9 =	vld [tilespmem:s17+$0x6840]  }
0x66: {  	[tilespmem:s17+$0x6800] =	vst v3;
	v3 =	vadd.f32 v5, v10;
	v5 =	vmul.f32 $1.131370830e+01, v11;
	v15 =	vld [tilespmem:s17+$0xCC40]  }
.Ltmp0:
0x67: {  	[tilespmem:s17+$0xCC00] =	vst v4;
	v8 =	vadd.f32 v8, v10;
	v10 =	vmul.f32 $1.131370830e+01, v12;
	v4 =	vld [tilespmem:s17+$0x6850];
	(pc) =	sbr.rel @p1 .LBB2_3-.Ltmp0, $4  }
0x68: {  	[tilespmem:s17+$0x6810] =	vst v3;
	v11 =	vadd.f32 v5, v6;
	v12 =	vmul.f32 $1.131370830e+01, v13;
	v5 =	vld [tilespmem:s17+$0xCC50]  }
0x69: {  	[tilespmem:s17+$0xCC10] =	vst v8;
	v8 =	vadd.f32 v10, v6;
	v13 =	vmul.f32 $1.131370830e+01, v14;
	v3 =	vld [tilespmem:s17+$0x6860]  }
0x6a: {  	[tilespmem:s17+$0x6820] =	vst v11;
	v10 =	vadd.f32 v12, v7;
	v11 =	vmul.f32 $1.131370830e+01, v9;
	v6 =	vld [tilespmem:s17+$0xCC60]  }
0x6b: {  	s10 =	sadd.s32 $0x200, s10;
	[tilespmem:s17+$0xCC20] =	vst v8;
	v8 =	vadd.f32 v13, v7;
	v9 =	vmul.f32 $1.131370830e+01, v15;
	v7 =	vld [tilespmem:s17+$0x6870]  }
0x6c: {  	[tilespmem:s17+$0x6830] =	vst v10;
	v10 =	vld [tilespmem:s17+$0xCC70];
	v11 =	vadd.f32 v11, v2;
	v4 =	vmul.f32 $1.131370830e+01, v4  }
0x6d: {  	[tilespmem:s17+$0xCC30] =	vst v8;
	v2 =	vadd.f32 v9, v2;
	v5 =	vmul.f32 $1.131370830e+01, v5;
	v8 =	vld [tilespmem:s17+$0x70]  }
0x6e: {  	[tilespmem:s17+$0x6840] =	vst v11;
	v4 =	vadd.f32 v4, v1;
	v3 =	vmul.f32 $1.131370830e+01, v3  }
0x6f: {  	[tilespmem:s17+$0xCC40] =	vst v2;
	v1 =	vadd.f32 v5, v1;
	v2 =	vmul.f32 $1.131370830e+01, v6  }
0x70: {  	[tilespmem:s17+$0x6850] =	vst v4;
	v3 =	vadd.f32 v3, v0;
	v4 =	vmul.f32 $1.131370830e+01, v7  }
0x71: {  	[tilespmem:s17+$0xCC50] =	vst v1;
	v0 =	vadd.f32 v2, v0;
	v1 =	vmul.f32 $1.131370830e+01, v10  }
0x72: {  	s15 =	sor.u32 s7, s24;
	[tilespmem:s17+$0x6860] =	vst v3;
	v2 =	vadd.f32 v4, v8  }
0x73: {  	s10 =	smul.u32 $0xC80, s15;
	[tilespmem:s17+$0xCC60] =	vst v0;
	v0 =	vadd.f32 v1, v8  }
0x74: {  	[tilespmem:s17+$0x6870] =	vst v2  }
0x75: {  	s16 =	simm.s32 $0x6800;
	s20 =	sadd.s32 s3, s10;
	[tilespmem:s17+$0xCC70] =	vst v0  }
0x76: {  	[hbm4b:s20+s4] =	stream.linear.scatter [tilespmem:s16], [sflag:$0x9], $0x3400, $0x38;
	[tilespmem:$0x1F800] =	vst v63  }
0x77: {  	s17 =	simm.s32 @!p0 $0xF;
	s16 =	sadd.s32 s10, s9;
	s20 =	simm.s32 $0xCC00  }
0x78: {  	[hbm4b:s16+s4] =	stream.linear.scatter [tilespmem:s20], [sflag:$0xB], $0x3400, $0x38;
	[tilespmem:$0x1F800] =	vst v63  }
0x79: {  	_ =	swait.ge @!p0 [sflag:s17], $0x3400  }
0x7a: {  	[sflag:s17] =	ssyncset.done @!p0 $0x0  }
0x7b: {  	s20 =	simm.s32 $0x66C8;
	[sflag:s17] =	ssyncadd.s32 @!p0 $0xFFFFCC00;
	s17 =	simm.s32 $0x68  }
0x7c: {  	[tilespmem:s0], [sflag:$0x7] =	stream.indirect.gather [hbm4b:s1+s17], $0x80, s20, s17, $0xb8;
	[tilespmem:$0x1F800] =	vst v63  }
0x7d: {  	_ =	swait.ge [sflag:s2], $0x3000  }
0x7e: {  	[sflag:s2] =	ssyncset.done $0x0  }
0x7f: {  	[sflag:s2] =	ssyncadd.s32 $0xFFFFD000  }
0x80: {  	_ =	swait.ge [sflag:s21], $0x3000  }
0x81: {  	[sflag:s21] =	ssyncset.done $0x0  }
0x82: {  	s17 =	simm.s32 $0x0;
	[sflag:s21] =	ssyncadd.s32 $0xFFFFD000  }
0x83: {  	v3 =	vld [tilespmem:s17+$0x3400]  }
0x84: {  	v5 =	vld [tilespmem:s17+$0x3410]  }
0x85: {  	v6 =	vld [tilespmem:s17+$0x3420]  }
0x86: {  	v7 =	vld [tilespmem:s17+$0x3430]  }
0x87: {  	v2 =	vld [tilespmem:s17+$0x3440]  }
0x88: {  	v4 =	vld [tilespmem:s17+$0x9C00]  }
0x89: {  	v8 =	vld [tilespmem:s17+$0x10000]  }
0x8a: {  	v1 =	vld [tilespmem:s17+$0x3450]  }
0x8b: {  	v9 =	vld [tilespmem:s17+$0x9C10]  }
0x8c: {  	v10 =	vld [tilespmem:s17+$0x10010]  }
0x8d: {  	v0 =	vld [tilespmem:s17+$0x3460]  }
0x8e: {  	v11 =	vld [tilespmem:s17+$0x9C20];
	v4 =	vmul.f32 $1.131370830e+01, v4;
	v8 =	vmul.f32 $1.131370830e+01, v8  }
0x8f: {  	v12 =	vld [tilespmem:s17+$0x10020]  }
0x90: {  	v13 =	vld [tilespmem:s17+$0x9C30];
	v4 =	vadd.f32 v4, v3;
	v3 =	vadd.f32 v8, v3;
	v8 =	vmul.f32 $1.131370830e+01, v9  }
0x91: {  	v14 =	vld [tilespmem:s17+$0x10030];
	v10 =	vmul.f32 $1.131370830e+01, v10  }
0x92: {  	v15 =	vld [tilespmem:s17+$0x9C40];
	[tilespmem:s17+$0x9C00] =	vst v4;
	v8 =	vadd.f32 v8, v5  }
0x93: {  	v9 =	vld [tilespmem:s17+$0x10040];
	v10 =	vadd.f32 v10, v5;
	[tilespmem:s17+$0x10000] =	vst v3;
	v3 =	vmul.f32 $1.131370830e+01, v11  }
0x94: {  	v4 =	vld [tilespmem:s17+$0x9C50];
	[tilespmem:s17+$0x9C10] =	vst v8;
	v8 =	vmul.f32 $1.131370830e+01, v12  }
0x95: {  	v5 =	vld [tilespmem:s17+$0x10050];
	[tilespmem:s17+$0x10010] =	vst v10;
	v10 =	vmul.f32 $1.131370830e+01, v13;
	v11 =	vadd.f32 v3, v6  }
0x96: {  	v63 =	vmul.f32 $1.131370830e+01, v14;
	v3 =	vld [tilespmem:s17+$0x9C60];
	v8 =	vadd.f32 v8, v6  }
0x97: {  	v10 =	vadd.f32 v10, v7;
	[tilespmem:s17+$0x9C20] =	vst v11;
	v6 =	vld [tilespmem:s17+$0x10060];
	v11 =	vmul.f32 $1.131370830e+01, v15  }
0x98: {  	s20 =	simm.s32 $0x200;
	v9 =	vmul.f32 $1.131370830e+01, v9;
	[tilespmem:s17+$0x10020] =	vst v8;
	v8 =	vadd.f32 v63, v7;
	v7 =	vld [tilespmem:s17+$0x9C70]  }
.LBB2_5:
0x99: {  	p0 =	sne.s32 s20, $0xBE00;
	[tilespmem:s17+$0x9C30] =	vst v10;
	v10 =	vadd.f32 v11, v2;
	v4 =	vmul.f32 $1.131370830e+01, v4;
	v11 =	vld [tilespmem:s17+$0x10070]  }
0x9a: {  	s16 =	sshra.s32 s20, $0x2;
	[tilespmem:s17+$0x10030] =	vst v8;
	v2 =	vadd.f32 v9, v2;
	v5 =	vmul.f32 $1.131370830e+01, v5;
	v8 =	vld [tilespmem:s17+$0x3470]  }
0x9b: {  	v9 =	vld [tilespmem:s16+$0x3400];
	[tilespmem:s17+$0x9C40] =	vst v10;
	v4 =	vadd.f32 v4, v1;
	v3 =	vmul.f32 $1.131370830e+01, v3  }
0x9c: {  	v10 =	vld [tilespmem:s16+$0x3410];
	[tilespmem:s17+$0x10040] =	vst v2;
	v1 =	vadd.f32 v5, v1;
	v2 =	vmul.f32 $1.131370830e+01, v6  }
0x9d: {  	v6 =	vld [tilespmem:s16+$0x3420];
	[tilespmem:s17+$0x9C50] =	vst v4;
	v3 =	vadd.f32 v3, v0;
	v4 =	vmul.f32 $1.131370830e+01, v7  }
0x9e: {  	v7 =	vld [tilespmem:s16+$0x3430];
	[tilespmem:s17+$0x10050] =	vst v1;
	v0 =	vadd.f32 v2, v0;
	v5 =	vmul.f32 $1.131370830e+01, v11  }
0x9f: {  	v2 =	vld [tilespmem:s16+$0x3440];
	[tilespmem:s17+$0x9C60] =	vst v3;
	v3 =	vadd.f32 v4, v8  }
0xa0: {  	v1 =	vld [tilespmem:s16+$0x3450];
	[tilespmem:s17+$0x10060] =	vst v0;
	v4 =	vadd.f32 v5, v8  }
0xa1: {  	v0 =	vld [tilespmem:s16+$0x3460];
	[tilespmem:s17+$0x9C70] =	vst v3  }
0xa2: {  	v3 =	vld [tilespmem:s16+$0x9C00];
	[tilespmem:s17+$0x10070] =	vst v4;
	s17 =	smov.u32 s16  }
0xa3: {  	v4 =	vld [tilespmem:s17+$0x10000]  }
0xa4: {  	v5 =	vld [tilespmem:s17+$0x9C10]  }
0xa5: {  	v8 =	vld [tilespmem:s17+$0x10010]  }
0xa6: {  	v11 =	vld [tilespmem:s17+$0x9C20]  }
0xa7: {  	v3 =	vmul.f32 $1.131370830e+01, v3;
	v12 =	vld [tilespmem:s17+$0x10020]  }
0xa8: {  	v4 =	vmul.f32 $1.131370830e+01, v4;
	v13 =	vld [tilespmem:s17+$0x9C30]  }
0xa9: {  	v3 =	vadd.f32 v3, v9;
	v5 =	vmul.f32 $1.131370830e+01, v5;
	v14 =	vld [tilespmem:s17+$0x10030]  }
0xaa: {  	v4 =	vadd.f32 v4, v9;
	v8 =	vmul.f32 $1.131370830e+01, v8;
	v9 =	vld [tilespmem:s17+$0x9C40]  }
0xab: {  	[tilespmem:s17+$0x9C00] =	vst v3;
	v3 =	vadd.f32 v5, v10;
	v5 =	vmul.f32 $1.131370830e+01, v11;
	v15 =	vld [tilespmem:s17+$0x10040]  }
.Ltmp1:
0xac: {  	[tilespmem:s17+$0x10000] =	vst v4;
	v8 =	vadd.f32 v8, v10;
	v10 =	vmul.f32 $1.131370830e+01, v12;
	v4 =	vld [tilespmem:s17+$0x9C50];
	(pc) =	sbr.rel @p0 .LBB2_5-.Ltmp1, $4  }
0xad: {  	[tilespmem:s17+$0x9C10] =	vst v3;
	v11 =	vadd.f32 v5, v6;
	v12 =	vmul.f32 $1.131370830e+01, v13;
	v5 =	vld [tilespmem:s17+$0x10050]  }
0xae: {  	[tilespmem:s17+$0x10010] =	vst v8;
	v8 =	vadd.f32 v10, v6;
	v13 =	vmul.f32 $1.131370830e+01, v14;
	v3 =	vld [tilespmem:s17+$0x9C60]  }
0xaf: {  	[tilespmem:s17+$0x9C20] =	vst v11;
	v10 =	vadd.f32 v12, v7;
	v11 =	vmul.f32 $1.131370830e+01, v9;
	v6 =	vld [tilespmem:s17+$0x10060]  }
0xb0: {  	s20 =	sadd.s32 $0x200, s20;
	[tilespmem:s17+$0x10020] =	vst v8;
	v8 =	vadd.f32 v13, v7;
	v9 =	vmul.f32 $1.131370830e+01, v15;
	v7 =	vld [tilespmem:s17+$0x9C70]  }
0xb1: {  	[tilespmem:s17+$0x9C30] =	vst v10;
	v54 =	vld [tilespmem:s17+$0x10070];
	v11 =	vadd.f32 v11, v2;
	v4 =	vmul.f32 $1.131370830e+01, v4  }
0xb2: {  	v56 =	vld [tilespmem:s17+$0x3470];
	[tilespmem:s17+$0x10030] =	vst v8;
	v55 =	vadd.f32 v9, v2;
	v5 =	vmul.f32 $1.131370830e+01, v5  }
0xb3: {  	[tilespmem:s17+$0x9C40] =	vst v11;
	v4 =	vadd.f32 v4, v1;
	v3 =	vmul.f32 $1.131370830e+01, v3  }
0xb4: {  	[tilespmem:s17+$0x10040] =	vst v55;
	v57 =	vadd.f32 v5, v1;
	v58 =	vmul.f32 $1.131370830e+01, v6  }
0xb5: {  	[tilespmem:s17+$0x9C50] =	vst v4;
	v3 =	vadd.f32 v3, v0;
	v59 =	vmul.f32 $1.131370830e+01, v7  }
0xb6: {  	s15 =	smul.u32 $0x6400, s15;
	[tilespmem:s17+$0x10050] =	vst v57;
	v60 =	vadd.f32 v58, v0;
	v61 =	vmul.f32 $1.131370830e+01, v54  }
0xb7: {  	[tilespmem:s17+$0x9C60] =	vst v3;
	v62 =	vadd.f32 v59, v56  }
0xb8: {  	p0 =	sne.s32 s22, $0x0;
	s15 =	sshrl.u32 s15, $0x3;
	[tilespmem:s17+$0x10060] =	vst v60;
	v63 =	vadd.f32 v61, v56  }
.Ltmp2:
0xb9: {  	s15 =	sadd.s32 s3, s15;
	[tilespmem:s17+$0x9C70] =	vst v62;
	(pc) =	sbr.rel @!p0 .LBB2_7-.Ltmp2, $4  }
0xba: {  	s20 =	simm.s32 $0x9C00;
	s16 =	sadd.s32 $0x680, s15;
	[tilespmem:s17+$0x10070] =	vst v63  }
0xbb: {  	[hbm4b:s16+s4] =	stream.linear.scatter [tilespmem:s20], [sflag:$0xA], $0x3000, $0x38;
	[tilespmem:$0x1F800] =	vst v63  }
0xbc: {  	s17 =	sadd.s32 $0x1300, s15;
	s20 =	simm.s32 $0x10000  }
0xbd: {  	[hbm4b:s17+s4] =	stream.linear.scatter [tilespmem:s20], [sflag:$0xC], $0x3000, $0x38;
	[tilespmem:$0x1F800] =	vst v63  }
0xbe: {  	p1 =	seq.s32 s22, $0x1F  }
.Ltmp3:
0xbf: {  	_ = 	snop;
	(pc) =	sbr.rel @p1 .LBB2_10-.Ltmp3, $4  }
.Ltmp4:
0xc0: {  	_ =	swait.ge [sflag:s26], $0x3000;
	(pc) =	sbr.rel @!p1 .LBB2_9-.Ltmp4, $4  }
0xc1: {  	[sflag:s26] =	ssyncset.done $0x0  }
0xc2: {  	s16 =	simm.s32 $0x6730;
	p0 =	por $0x1, $0x1;
	[sflag:s26] =	ssyncadd.s32 $0xFFFFD000  }
0xc3: {  	[tilespmem:s6], [sflag:$0x8] =	stream.indirect.gather [hbm4b:s1+s18], $0x80, s16, s18, $0xb8;
	[tilespmem:$0x1F800] =	vst v63  }
0xc4: {  	_ = 	snop  }
.LBB2_7:
0xc5: {  	s16 =	simm.s32 $0x6730  }
0xc6: {  	[tilespmem:s6], [sflag:$0x8] =	stream.indirect.gather [hbm4b:s1+s18], $0x80, s16, s18, $0xb8;
	[tilespmem:$0x1F800] =	vst v63  }
.LBB2_9:
0xc7: {  	s16 =	rddreg [dreg:$0x6]  }
0xc8: {  	s16 =	sadd.s32 s24, s16  }
0xc9: {  	s16 =	smul.u32 $0x19, s16;
	_ =	sdelay $0x1  }
0xca: {  	s17 =	simm.s32 $0x6400;
	s16 =	sadd.s32 s5, s16  }
0xcb: {  	[tilespmem:s17], [sflag:$0x11] =	stream.linear.gather [hbm4b:s16+s4], $0x190, $0x38;
	[tilespmem:$0x1F800] =	vst v63  }
0xcc: {  	_ =	swait.ge [sflag:s14], $0x190  }
0xcd: {  	[sflag:s14] =	ssyncset.done $0x0  }
0xce: {  	[sflag:s14] =	ssyncadd.s32 $0xFFFFFE70  }
0xcf: {  	_ =	swait.ge [sflag:s8], $0x3400  }
0xd0: {  	[sflag:s8] =	ssyncset.done $0x0  }
0xd1: {  	s20 =	simm.s32 $0x6800;
	s24 =	simm.s32 $0x68;
	[sflag:s8] =	ssyncadd.s32 $0xFFFFCC00  }
0xd2: {  	[tilespmem:s20], [sflag:$0x1] =	stream.indirect.gather [hbm4b:s1+s24], $0x80, s17, s24, $0xb8;
	[tilespmem:$0x1F800] =	vst v63  }
0xd3: {  	_ =	swait.ge [sflag:s13], $0x3000  }
0xd4: {  	p0 =	por $0x0, $0x0;
	[sflag:s13] =	ssyncset.done $0x0  }
0xd5: {  	s20 =	simm.s32 $0x6468;
	s24 =	simm.s32 $0x9C00;
	[sflag:s13] =	ssyncadd.s32 $0xFFFFD000  }
0xd6: {  	[tilespmem:s24], [sflag:$0x2] =	stream.indirect.gather [hbm4b:s1+s18], $0x80, s20, s18, $0xb8;
	[tilespmem:$0x1F800] =	vst v63  }
.LBB2_10:
0xd7: {  	_ =	swait.ge [sflag:s19], $0x3400  }
0xd8: {  	[sflag:s19] =	ssyncset.done $0x0  }
0xd9: {  	[sflag:s19] =	ssyncadd.s32 $0xFFFFCC00  }
0xda: {  	_ =	swait.ge [sflag:s25], $0x3400  }
0xdb: {  	[sflag:s25] =	ssyncset.done $0x0  }
0xdc: {  	s17 =	simm.s32 $0x0;
	[sflag:s25] =	ssyncadd.s32 $0xFFFFCC00  }
0xdd: {  	v3 =	vld [tilespmem:s17+$0x0]  }
0xde: {  	v5 =	vld [tilespmem:s17+$0x10]  }
0xdf: {  	v6 =	vld [tilespmem:s17+$0x20]  }
0xe0: {  	v7 =	vld [tilespmem:s17+$0x30]  }
0xe1: {  	v2 =	vld [tilespmem:s17+$0x40]  }
0xe2: {  	v4 =	vld [tilespmem:s17+$0x13000]  }
0xe3: {  	v8 =	vld [tilespmem:s17+$0x19400]  }
0xe4: {  	v1 =	vld [tilespmem:s17+$0x50]  }
0xe5: {  	v9 =	vld [tilespmem:s17+$0x13010]  }
0xe6: {  	v10 =	vld [tilespmem:s17+$0x19410]  }
0xe7: {  	v0 =	vld [tilespmem:s17+$0x60]  }
0xe8: {  	v11 =	vld [tilespmem:s17+$0x13020];
	v4 =	vmul.f32 $1.131370830e+01, v4;
	v8 =	vmul.f32 $1.131370830e+01, v8  }
0xe9: {  	v12 =	vld [tilespmem:s17+$0x19420]  }
0xea: {  	v13 =	vld [tilespmem:s17+$0x13030];
	v4 =	vadd.f32 v4, v3;
	v3 =	vadd.f32 v8, v3;
	v8 =	vmul.f32 $1.131370830e+01, v9  }
0xeb: {  	v14 =	vld [tilespmem:s17+$0x19430];
	v10 =	vmul.f32 $1.131370830e+01, v10  }
0xec: {  	v15 =	vld [tilespmem:s17+$0x13040];
	[tilespmem:s17+$0x13000] =	vst v4;
	v8 =	vadd.f32 v8, v5  }
0xed: {  	v9 =	vld [tilespmem:s17+$0x19440];
	v10 =	vadd.f32 v10, v5;
	[tilespmem:s17+$0x19400] =	vst v3;
	v3 =	vmul.f32 $1.131370830e+01, v11  }
0xee: {  	v4 =	vld [tilespmem:s17+$0x13050];
	[tilespmem:s17+$0x13010] =	vst v8;
	v8 =	vmul.f32 $1.131370830e+01, v12  }
0xef: {  	v5 =	vld [tilespmem:s17+$0x19450];
	[tilespmem:s17+$0x19410] =	vst v10;
	v10 =	vmul.f32 $1.131370830e+01, v13;
	v11 =	vadd.f32 v3, v6  }
0xf0: {  	v63 =	vmul.f32 $1.131370830e+01, v14;
	v3 =	vld [tilespmem:s17+$0x13060];
	v8 =	vadd.f32 v8, v6  }
0xf1: {  	v10 =	vadd.f32 v10, v7;
	[tilespmem:s17+$0x13020] =	vst v11;
	v6 =	vld [tilespmem:s17+$0x19460];
	v11 =	vmul.f32 $1.131370830e+01, v15  }
0xf2: {  	s20 =	simm.s32 $0x200;
	v9 =	vmul.f32 $1.131370830e+01, v9;
	[tilespmem:s17+$0x19420] =	vst v8;
	v8 =	vadd.f32 v63, v7;
	v7 =	vld [tilespmem:s17+$0x13070]  }
.LBB2_11:
0xf3: {  	p1 =	sne.s32 s20, $0xCE00;
	[tilespmem:s17+$0x13030] =	vst v10;
	v10 =	vadd.f32 v11, v2;
	v4 =	vmul.f32 $1.131370830e+01, v4;
	v11 =	vld [tilespmem:s17+$0x19470]  }
0xf4: {  	s16 =	sshra.s32 s20, $0x2;
	[tilespmem:s17+$0x19430] =	vst v8;
	v2 =	vadd.f32 v9, v2;
	v5 =	vmul.f32 $1.131370830e+01, v5;
	v8 =	vld [tilespmem:s17+$0x70]  }
0xf5: {  	v9 =	vld [tilespmem:s16+$0x0];
	[tilespmem:s17+$0x13040] =	vst v10;
	v4 =	vadd.f32 v4, v1;
	v3 =	vmul.f32 $1.131370830e+01, v3  }
0xf6: {  	v10 =	vld [tilespmem:s16+$0x10];
	[tilespmem:s17+$0x19440] =	vst v2;
	v1 =	vadd.f32 v5, v1;
	v2 =	vmul.f32 $1.131370830e+01, v6  }
0xf7: {  	v6 =	vld [tilespmem:s16+$0x20];
	[tilespmem:s17+$0x13050] =	vst v4;
	v3 =	vadd.f32 v3, v0;
	v4 =	vmul.f32 $1.131370830e+01, v7  }
0xf8: {  	v7 =	vld [tilespmem:s16+$0x30];
	[tilespmem:s17+$0x19450] =	vst v1;
	v0 =	vadd.f32 v2, v0;
	v5 =	vmul.f32 $1.131370830e+01, v11  }
0xf9: {  	v2 =	vld [tilespmem:s16+$0x40];
	[tilespmem:s17+$0x13060] =	vst v3;
	v3 =	vadd.f32 v4, v8  }
0xfa: {  	v1 =	vld [tilespmem:s16+$0x50];
	[tilespmem:s17+$0x19460] =	vst v0;
	v4 =	vadd.f32 v5, v8  }
0xfb: {  	v0 =	vld [tilespmem:s16+$0x60];
	[tilespmem:s17+$0x13070] =	vst v3  }
0xfc: {  	v3 =	vld [tilespmem:s16+$0x13000];
	[tilespmem:s17+$0x19470] =	vst v4;
	s17 =	smov.u32 s16  }
0xfd: {  	v4 =	vld [tilespmem:s17+$0x19400]  }
0xfe: {  	v5 =	vld [tilespmem:s17+$0x13010]  }
0xff: {  	v8 =	vld [tilespmem:s17+$0x19410]  }
0x100: {  	v11 =	vld [tilespmem:s17+$0x13020]  }
0x101: {  	v3 =	vmul.f32 $1.131370830e+01, v3;
	v12 =	vld [tilespmem:s17+$0x19420]  }
0x102: {  	v4 =	vmul.f32 $1.131370830e+01, v4;
	v13 =	vld [tilespmem:s17+$0x13030]  }
0x103: {  	v3 =	vadd.f32 v3, v9;
	v5 =	vmul.f32 $1.131370830e+01, v5;
	v14 =	vld [tilespmem:s17+$0x19430]  }
0x104: {  	v4 =	vadd.f32 v4, v9;
	v8 =	vmul.f32 $1.131370830e+01, v8;
	v9 =	vld [tilespmem:s17+$0x13040]  }
0x105: {  	[tilespmem:s17+$0x13000] =	vst v3;
	v3 =	vadd.f32 v5, v10;
	v5 =	vmul.f32 $1.131370830e+01, v11;
	v15 =	vld [tilespmem:s17+$0x19440]  }
.Ltmp5:
0x106: {  	[tilespmem:s17+$0x19400] =	vst v4;
	v8 =	vadd.f32 v8, v10;
	v10 =	vmul.f32 $1.131370830e+01, v12;
	v4 =	vld [tilespmem:s17+$0x13050];
	(pc) =	sbr.rel @p1 .LBB2_11-.Ltmp5, $4  }
0x107: {  	[tilespmem:s17+$0x13010] =	vst v3;
	v11 =	vadd.f32 v5, v6;
	v12 =	vmul.f32 $1.131370830e+01, v13;
	v5 =	vld [tilespmem:s17+$0x19450]  }
0x108: {  	[tilespmem:s17+$0x19410] =	vst v8;
	v8 =	vadd.f32 v10, v6;
	v13 =	vmul.f32 $1.131370830e+01, v14;
	v3 =	vld [tilespmem:s17+$0x13060]  }
0x109: {  	[tilespmem:s17+$0x13020] =	vst v11;
	v10 =	vadd.f32 v12, v7;
	v11 =	vmul.f32 $1.131370830e+01, v9;
	v6 =	vld [tilespmem:s17+$0x19460]  }
0x10a: {  	s20 =	sadd.s32 $0x200, s20;
	[tilespmem:s17+$0x19420] =	vst v8;
	v8 =	vadd.f32 v13, v7;
	v9 =	vmul.f32 $1.131370830e+01, v15;
	v7 =	vld [tilespmem:s17+$0x13070]  }
0x10b: {  	[tilespmem:s17+$0x13030] =	vst v10;
	v10 =	vld [tilespmem:s17+$0x19470];
	v11 =	vadd.f32 v11, v2;
	v4 =	vmul.f32 $1.131370830e+01, v4  }
0x10c: {  	[tilespmem:s17+$0x19430] =	vst v8;
	v2 =	vadd.f32 v9, v2;
	v5 =	vmul.f32 $1.131370830e+01, v5;
	v8 =	vld [tilespmem:s17+$0x70]  }
0x10d: {  	[tilespmem:s17+$0x13040] =	vst v11;
	v4 =	vadd.f32 v4, v1;
	v3 =	vmul.f32 $1.131370830e+01, v3  }
0x10e: {  	[tilespmem:s17+$0x19440] =	vst v2;
	v1 =	vadd.f32 v5, v1;
	v2 =	vmul.f32 $1.131370830e+01, v6  }
0x10f: {  	[tilespmem:s17+$0x13050] =	vst v4;
	v3 =	vadd.f32 v3, v0;
	v4 =	vmul.f32 $1.131370830e+01, v7  }
0x110: {  	[tilespmem:s17+$0x19450] =	vst v1;
	v0 =	vadd.f32 v2, v0;
	v1 =	vmul.f32 $1.131370830e+01, v10  }
0x111: {  	[tilespmem:s17+$0x13060] =	vst v3;
	v2 =	vadd.f32 v4, v8  }
0x112: {  	[tilespmem:s17+$0x19460] =	vst v0;
	v0 =	vadd.f32 v1, v8  }
0x113: {  	[tilespmem:s17+$0x13070] =	vst v2  }
0x114: {  	s16 =	sadd.s32 s10, s11;
	s20 =	simm.s32 $0x13000;
	[tilespmem:s17+$0x19470] =	vst v0  }
0x115: {  	[hbm4b:s16+s4] =	stream.linear.scatter [tilespmem:s20], [sflag:$0xD], $0x3400, $0x38;
	[tilespmem:$0x1F800] =	vst v63  }
0x116: {  	s24 =	sadd.s32 s10, s12;
	s10 =	simm.s32 @!p0 $0xB  }
0x117: {  	[hbm4b:s24+s4] =	stream.linear.scatter [tilespmem:s0], [sflag:$0xF], $0x3400, $0x38;
	[tilespmem:$0x1F800] =	vst v63  }
0x118: {  	_ =	swait.ge @!p0 [sflag:s10], $0x3400  }
0x119: {  	s17 =	simm.s32 @!p0 $0xCC00;
	[sflag:s10] =	ssyncset.done @!p0 $0x0  }
0x11a: {  	s16 =	simm.s32 @!p0 $0x64C8;
	[sflag:s10] =	ssyncadd.s32 @!p0 $0xFFFFCC00;
	s10 =	simm.s32 @!p0 $0x68  }
0x11b: {  	[tilespmem:s17], [sflag:$0x3] =	stream.indirect.gather @!p0 [hbm4b:s1+s10], $0x80, s16, s10, $0xb8;
	[tilespmem:$0x1F800] =	vst v63  }
0x11c: {  	_ =	swait.ge [sflag:s31], $0x3000  }
0x11d: {  	[sflag:s31] =	ssyncset.done $0x0  }
0x11e: {  	[sflag:s31] =	ssyncadd.s32 $0xFFFFD000  }
0x11f: {  	_ =	swait.ge [sflag:s23], $0x3000  }
0x120: {  	[sflag:s23] =	ssyncset.done $0x0  }
0x121: {  	s10 =	simm.s32 $0x0;
	[sflag:s23] =	ssyncadd.s32 $0xFFFFD000  }
0x122: {  	v3 =	vld [tilespmem:s10+$0x3400]  }
0x123: {  	v5 =	vld [tilespmem:s10+$0x3410]  }
0x124: {  	v6 =	vld [tilespmem:s10+$0x3420]  }
0x125: {  	v7 =	vld [tilespmem:s10+$0x3430]  }
0x126: {  	v2 =	vld [tilespmem:s10+$0x3440]  }
0x127: {  	v4 =	vld [tilespmem:s10+$0x16400]  }
0x128: {  	v8 =	vld [tilespmem:s10+$0x1C800]  }
0x129: {  	v1 =	vld [tilespmem:s10+$0x3450]  }
0x12a: {  	v9 =	vld [tilespmem:s10+$0x16410]  }
0x12b: {  	v10 =	vld [tilespmem:s10+$0x1C810]  }
0x12c: {  	v0 =	vld [tilespmem:s10+$0x3460]  }
0x12d: {  	v11 =	vld [tilespmem:s10+$0x16420];
	v4 =	vmul.f32 $1.131370830e+01, v4;
	v8 =	vmul.f32 $1.131370830e+01, v8  }
0x12e: {  	v12 =	vld [tilespmem:s10+$0x1C820]  }
0x12f: {  	v13 =	vld [tilespmem:s10+$0x16430];
	v4 =	vadd.f32 v4, v3;
	v3 =	vadd.f32 v8, v3;
	v8 =	vmul.f32 $1.131370830e+01, v9  }
0x130: {  	v14 =	vld [tilespmem:s10+$0x1C830];
	v10 =	vmul.f32 $1.131370830e+01, v10  }
0x131: {  	v15 =	vld [tilespmem:s10+$0x16440];
	[tilespmem:s10+$0x16400] =	vst v4;
	v8 =	vadd.f32 v8, v5  }
0x132: {  	v9 =	vld [tilespmem:s10+$0x1C840];
	v10 =	vadd.f32 v10, v5;
	[tilespmem:s10+$0x1C800] =	vst v3;
	v3 =	vmul.f32 $1.131370830e+01, v11  }
0x133: {  	v4 =	vld [tilespmem:s10+$0x16450];
	[tilespmem:s10+$0x16410] =	vst v8;
	v8 =	vmul.f32 $1.131370830e+01, v12  }
0x134: {  	v5 =	vld [tilespmem:s10+$0x1C850];
	[tilespmem:s10+$0x1C810] =	vst v10;
	v10 =	vmul.f32 $1.131370830e+01, v13;
	v11 =	vadd.f32 v3, v6  }
0x135: {  	v63 =	vmul.f32 $1.131370830e+01, v14;
	v3 =	vld [tilespmem:s10+$0x16460];
	v8 =	vadd.f32 v8, v6  }
0x136: {  	v10 =	vadd.f32 v10, v7;
	[tilespmem:s10+$0x16420] =	vst v11;
	v6 =	vld [tilespmem:s10+$0x1C860];
	v11 =	vmul.f32 $1.131370830e+01, v15  }
0x137: {  	s17 =	simm.s32 $0x200;
	v9 =	vmul.f32 $1.131370830e+01, v9;
	[tilespmem:s10+$0x1C820] =	vst v8;
	v8 =	vadd.f32 v63, v7;
	v7 =	vld [tilespmem:s10+$0x16470]  }
.LBB2_13:
0x138: {  	p1 =	sne.s32 s17, $0xBE00;
	[tilespmem:s10+$0x16430] =	vst v10;
	v10 =	vadd.f32 v11, v2;
	v4 =	vmul.f32 $1.131370830e+01, v4;
	v11 =	vld [tilespmem:s10+$0x1C870]  }
0x139: {  	s16 =	sshra.s32 s17, $0x2;
	[tilespmem:s10+$0x1C830] =	vst v8;
	v2 =	vadd.f32 v9, v2;
	v5 =	vmul.f32 $1.131370830e+01, v5;
	v8 =	vld [tilespmem:s10+$0x3470]  }
0x13a: {  	v9 =	vld [tilespmem:s16+$0x3400];
	[tilespmem:s10+$0x16440] =	vst v10;
	v4 =	vadd.f32 v4, v1;
	v3 =	vmul.f32 $1.131370830e+01, v3  }
0x13b: {  	v10 =	vld [tilespmem:s16+$0x3410];
	[tilespmem:s10+$0x1C840] =	vst v2;
	v1 =	vadd.f32 v5, v1;
	v2 =	vmul.f32 $1.131370830e+01, v6  }
0x13c: {  	v6 =	vld [tilespmem:s16+$0x3420];
	[tilespmem:s10+$0x16450] =	vst v4;
	v3 =	vadd.f32 v3, v0;
	v4 =	vmul.f32 $1.131370830e+01, v7  }
0x13d: {  	v7 =	vld [tilespmem:s16+$0x3430];
	[tilespmem:s10+$0x1C850] =	vst v1;
	v0 =	vadd.f32 v2, v0;
	v5 =	vmul.f32 $1.131370830e+01, v11  }
0x13e: {  	v2 =	vld [tilespmem:s16+$0x3440];
	[tilespmem:s10+$0x16460] =	vst v3;
	v3 =	vadd.f32 v4, v8  }
0x13f: {  	v1 =	vld [tilespmem:s16+$0x3450];
	[tilespmem:s10+$0x1C860] =	vst v0;
	v4 =	vadd.f32 v5, v8  }
0x140: {  	v0 =	vld [tilespmem:s16+$0x3460];
	[tilespmem:s10+$0x16470] =	vst v3  }
0x141: {  	v3 =	vld [tilespmem:s16+$0x16400];
	[tilespmem:s10+$0x1C870] =	vst v4;
	s10 =	smov.u32 s16  }
0x142: {  	v4 =	vld [tilespmem:s10+$0x1C800]  }
0x143: {  	v5 =	vld [tilespmem:s10+$0x16410]  }
0x144: {  	v8 =	vld [tilespmem:s10+$0x1C810]  }
0x145: {  	v11 =	vld [tilespmem:s10+$0x16420]  }
0x146: {  	v3 =	vmul.f32 $1.131370830e+01, v3;
	v12 =	vld [tilespmem:s10+$0x1C820]  }
0x147: {  	v4 =	vmul.f32 $1.131370830e+01, v4;
	v13 =	vld [tilespmem:s10+$0x16430]  }
0x148: {  	v3 =	vadd.f32 v3, v9;
	v5 =	vmul.f32 $1.131370830e+01, v5;
	v14 =	vld [tilespmem:s10+$0x1C830]  }
0x149: {  	v4 =	vadd.f32 v4, v9;
	v8 =	vmul.f32 $1.131370830e+01, v8;
	v9 =	vld [tilespmem:s10+$0x16440]  }
0x14a: {  	[tilespmem:s10+$0x16400] =	vst v3;
	v3 =	vadd.f32 v5, v10;
	v5 =	vmul.f32 $1.131370830e+01, v11;
	v15 =	vld [tilespmem:s10+$0x1C840]  }
.Ltmp6:
0x14b: {  	[tilespmem:s10+$0x1C800] =	vst v4;
	v8 =	vadd.f32 v8, v10;
	v10 =	vmul.f32 $1.131370830e+01, v12;
	v4 =	vld [tilespmem:s10+$0x16450];
	(pc) =	sbr.rel @p1 .LBB2_13-.Ltmp6, $4  }
0x14c: {  	[tilespmem:s10+$0x16410] =	vst v3;
	v11 =	vadd.f32 v5, v6;
	v12 =	vmul.f32 $1.131370830e+01, v13;
	v5 =	vld [tilespmem:s10+$0x1C850]  }
0x14d: {  	[tilespmem:s10+$0x1C810] =	vst v8;
	v8 =	vadd.f32 v10, v6;
	v13 =	vmul.f32 $1.131370830e+01, v14;
	v3 =	vld [tilespmem:s10+$0x16460]  }
0x14e: {  	[tilespmem:s10+$0x16420] =	vst v11;
	v10 =	vadd.f32 v12, v7;
	v11 =	vmul.f32 $1.131370830e+01, v9;
	v6 =	vld [tilespmem:s10+$0x1C860]  }
0x14f: {  	s17 =	sadd.s32 $0x200, s17;
	[tilespmem:s10+$0x1C820] =	vst v8;
	v8 =	vadd.f32 v13, v7;
	v9 =	vmul.f32 $1.131370830e+01, v15;
	v7 =	vld [tilespmem:s10+$0x16470]  }
0x150: {  	[tilespmem:s10+$0x16430] =	vst v10;
	v54 =	vld [tilespmem:s10+$0x1C870];
	v11 =	vadd.f32 v11, v2;
	v4 =	vmul.f32 $1.131370830e+01, v4  }
0x151: {  	v56 =	vld [tilespmem:s10+$0x3470];
	[tilespmem:s10+$0x1C830] =	vst v8;
	v55 =	vadd.f32 v9, v2;
	v5 =	vmul.f32 $1.131370830e+01, v5  }
0x152: {  	[tilespmem:s10+$0x16440] =	vst v11;
	v4 =	vadd.f32 v4, v1;
	v3 =	vmul.f32 $1.131370830e+01, v3  }
0x153: {  	[tilespmem:s10+$0x1C840] =	vst v55;
	v57 =	vadd.f32 v5, v1;
	v58 =	vmul.f32 $1.131370830e+01, v6  }
0x154: {  	[tilespmem:s10+$0x16450] =	vst v4;
	v3 =	vadd.f32 v3, v0;
	v59 =	vmul.f32 $1.131370830e+01, v7  }
0x155: {  	[tilespmem:s10+$0x1C850] =	vst v57;
	v60 =	vadd.f32 v58, v0;
	v61 =	vmul.f32 $1.131370830e+01, v54  }
0x156: {  	[tilespmem:s10+$0x16460] =	vst v3;
	v62 =	vadd.f32 v59, v56  }
0x157: {  	[tilespmem:s10+$0x1C860] =	vst v60;
	v63 =	vadd.f32 v61, v56  }
0x158: {  	[tilespmem:s10+$0x16470] =	vst v62  }
0x159: {  	s20 =	sadd.s32 $0x1F80, s15;
	[tilespmem:s10+$0x1C870] =	vst v63  }
0x15a: {  	[hbm4b:s20+s4] =	stream.linear.scatter [tilespmem:s28], [sflag:$0xE], $0x3000, $0x38;
	[tilespmem:$0x1F800] =	vst v63  }
0x15b: {  	s24 =	sadd.s32 $0x2C00, s15;
	s10 =	simm.s32 @!p0 $0xC  }
0x15c: {  	[hbm4b:s24+s4] =	stream.linear.scatter [tilespmem:s6], [sflag:$0x10], $0x3000, $0x38;
	[tilespmem:$0x1F800] =	vst v63  }
0x15d: {  	_ =	swait.ge @!p0 [sflag:s10], $0x3000  }
0x15e: {  	s15 =	simm.s32 @!p0 $0x6530;
	s16 =	simm.s32 @!p0 $0x10000;
	[sflag:s10] =	ssyncset.done @!p0 $0x0  }
0x15f: {  	s22 =	sadd.s32 $0x1, s22;
	[sflag:s10] =	ssyncadd.s32 @!p0 $0xFFFFD000;
	s10 =	simm.s32 @!p0 $0x60  }
0x160: {  	[tilespmem:s16], [sflag:$0x4] =	stream.indirect.gather @!p0 [hbm4b:s1+s10], $0x80, s15, s10, $0xb8;
	[tilespmem:$0x1F800] =	vst v63  }
0x161: {  	p0 =	sne.s32 s22, $0x20  }
.Ltmp7:
0x162: {  	_ = 	snop;
	(pc) =	sbr.rel @p0 .LBB2_2-.Ltmp7, $1  }
0x163: {  	_ =	sdelay $0x3  }
0x164: {  	_ =	swait.ge [sflag:s8], $0x3400  }
0x165: {  	[sflag:s8] =	ssyncset.done $0x0  }
0x166: {  	[sflag:s8] =	ssyncadd.s32 $0xFFFFCC00  }
0x167: {  	_ =	swait.ge [sflag:s13], $0x3000  }
0x168: {  	[sflag:s13] =	ssyncset.done $0x0  }
0x169: {  	s10 =	simm.s32 $0xB;
	[sflag:s13] =	ssyncadd.s32 $0xFFFFD000  }
0x16a: {  	_ =	swait.ge [sflag:s10], $0x3400  }
0x16b: {  	[sflag:s10] =	ssyncset.done $0x0  }
0x16c: {  	s16 =	simm.s32 $0xC;
	[sflag:s10] =	ssyncadd.s32 $0xFFFFCC00  }
0x16d: {  	_ =	swait.ge [sflag:s16], $0x3000  }
0x16e: {  	[sflag:s16] =	ssyncset.done $0x0  }
0x16f: {  	s17 =	simm.s32 $0xD;
	[sflag:s16] =	ssyncadd.s32 $0xFFFFD000  }
0x170: {  	_ =	swait.ge [sflag:s17], $0x3400  }
0x171: {  	[sflag:s17] =	ssyncset.done $0x0  }
0x172: {  	s20 =	simm.s32 $0xE;
	[sflag:s17] =	ssyncadd.s32 $0xFFFFCC00  }
0x173: {  	_ =	swait.ge [sflag:s20], $0x3000  }
0x174: {  	[sflag:s20] =	ssyncset.done $0x0  }
0x175: {  	s22 =	simm.s32 $0xF;
	[sflag:s20] =	ssyncadd.s32 $0xFFFFD000  }
0x176: {  	_ =	swait.ge [sflag:s22], $0x3400  }
0x177: {  	[sflag:s22] =	ssyncset.done $0x0  }
0x178: {  	[sflag:s22] =	ssyncadd.s32 $0xFFFFCC00  }
0x179: {  	_ =	swait.ge [sflag:s26], $0x3000  }
0x17a: {  	s15 =	rddreg [dreg:$0x8]  }
0x17b: {  	s24 =	rddreg [dreg:$0x7];
	s15 =	sadd.s32 $0x1, s15  }
0x17c: {  	p0 =	sne.s32 s15, s24  }
.Ltmp8:
0x17d: {  	_ = 	snop;
	(pc) =	sbr.rel @p0 .LBB2_1-.Ltmp8, $3  }
0x17e: {  	_ =	sdelay $0x1  }
0x17f: {  	[sflag:s26] =	ssyncset.done $0x0  }
0x180: {  	[sflag:s26] =	ssyncadd.s32 $0xFFFFD000  }
0x181: {  	_ =	sfence.sel $0x180000  }
0x182: {  	[bflag:$0x0] =	sbarrier.arrive $0xFFFF  }
0x183: {  	_ =	strace $0x90000047  }
0x184: {  	s0 =	stileid.u32;
	[bflag:$0x2] =	sbarrier.arrive $0xFFFF  }
0x185: {  	p0 =	sne.s32 s0, $0x0;
	s0 =	rddreg [dreg:$0x3]  }
0x186: {  	s0 =	sadd.s32 @!p0 $0x100000, s0  }
0x187: {  	[sflag:s0] =	ssyncadd.tile.s32 @!p0 $0x1;
	_ =	shalt  }
.Lfunc_end2:
_tile_overlayer_lowered:
.L_overlay_start_2:
0x188: {  	(tag) =	ssettag $0x2  }
0x189: {  	s0 =	rddreg [dreg:$0x0];
	s2 =	stileid.u32  }
0x18a: {  	s1 =	rddreg [dreg:$0x1];
	p0 =	sne.s32 s2, $0x0  }
0x18b: {  	s3 =	rddreg [dreg:$0x2];
	[bflag:$0x3] =	sbarrier.arrive $0xFFFF;
	s2 =	simm.s32 @!p0 $0x1C11  }
0x18c: {  	[timem:s3], [sflag:s2] =	dma.local @!p0 [hbm:s0], s1  }
0x18d: {  	s0 =	simm.s32 @!p0 $0x11  }
0x18e: {  	_ =	swait.ge @!p0 [sflag:s0], s1  }
0x18f: {  	s1 =	ssub.s32 @!p0 $0x0, s1;
	[sflag:s0] =	ssyncset.done @!p0 $0x0  }
0x190: {  	[sflag:s0] =	ssyncadd.s32 @!p0 s1  }
0x191: {  	[bflag:$0x3] =	sbarrier.arrive $0xFFFF  }
0x192: {  	_ =	shalt  }

</sc_bundles>
